<compile_context>
chip_gen: v7x
topology: tpu7x:2x2x1
jax: 0.10.2.dev20260603
libtpu: 0.0.44.dev20260713+nightly
codegen_flags: <defaults>
</compile_context>

<pallas_src>
import functools

import jax
import jax.numpy as jnp
from jax import lax
from jax.experimental import pallas as pl
from jax.experimental.pallas import tpu as pltpu
from jax.experimental.pallas import tpu_sc as plsc

N = 10000
E = 320000
D = 128
H = 64
G = 128

NC = 2
NS = 16
NW = NC * NS

NPAD = 10240
ROWS_PER_TILE = NPAD // NS

CHUNK = 80
NCHUNK = 125
EPAD = NW * NCHUNK * CHUNK

_SC_MESH = plsc.VectorSubcoreMesh(
    core_axis_name="c", subcore_axis_name="s", num_cores=NC, num_subcores=NS)


@functools.partial(
    pl.kernel,
    out_type=jax.ShapeDtypeStruct((NC, NPAD), jnp.float32),
    mesh=_SC_MESH,
    scratch_types=[
        pltpu.VMEM((NCHUNK, CHUNK), jnp.int32),
        pltpu.VMEM((CHUNK,), jnp.float32),
        pltpu.VMEM_SHARED((NPAD,), jnp.float32),
        pltpu.SemaphoreType.DMA,
    ],
    compiler_params=pltpu.CompilerParams(use_tc_tiling_on_sc=False),
)
def _sc_deg(ei_hbm, zeros_hbm, ones_hbm, out_hbm, dst_v, ones_v, acc, sem):
    cid = lax.axis_index("c")
    sid = lax.axis_index("s")
    wid = cid * NS + sid
    row0 = pl.multiple_of(sid * ROWS_PER_TILE, 8)
    pltpu.sync_copy(zeros_hbm, acc.at[pl.ds(row0, ROWS_PER_TILE)])
    pltpu.sync_copy(ones_hbm, ones_v)
    pltpu.sync_copy(ei_hbm.at[1, wid], dst_v)
    plsc.subcore_barrier()

    def body(j, carry):
        pltpu.sync_copy(ones_v, acc.at[dst_v.at[j]], add=True)
        return carry

    lax.fori_loop(0, NCHUNK, body, 0)
    plsc.subcore_barrier()
    pltpu.sync_copy(acc.at[pl.ds(row0, ROWS_PER_TILE)],
                    out_hbm.at[cid, pl.ds(row0, ROWS_PER_TILE)])


@functools.partial(
    pl.kernel,
    out_type=jax.ShapeDtypeStruct((NC, NPAD, H), jnp.float32),
    mesh=_SC_MESH,
    scratch_types=[
        pltpu.VMEM((NCHUNK, CHUNK), jnp.int32),
        pltpu.VMEM((NCHUNK, CHUNK), jnp.int32),
        [pltpu.VMEM((CHUNK, H), jnp.float32)] * 2,
        [pltpu.SemaphoreType.DMA] * 2,
        pltpu.VMEM_SHARED((NPAD, H), jnp.float32),
    ],
    compiler_params=pltpu.CompilerParams(use_tc_tiling_on_sc=False),
)
def _sc_agg(t_hbm, ei_hbm, zeros_hbm, out_hbm,
            src_v, dst_v, bufs, gs, acc):
    cid = lax.axis_index("c")
    sid = lax.axis_index("s")
    wid = cid * NS + sid
    row0 = pl.multiple_of(sid * ROWS_PER_TILE, 8)
    pltpu.sync_copy(zeros_hbm, acc.at[pl.ds(row0, ROWS_PER_TILE)])
    pltpu.sync_copy(ei_hbm.at[0, wid], src_v)
    pltpu.sync_copy(ei_hbm.at[1, wid], dst_v)
    plsc.subcore_barrier()

    def gather(j, k):
        pltpu.async_copy(t_hbm.at[src_v.at[j]], bufs[k], gs[k])

    def wait_gather(k):
        pltpu.make_async_copy(t_hbm.at[src_v.at[0]], bufs[k], gs[k]).wait()

    gather(0, 0)
    gather(1, 1)

    def body(i, carry):
        j = 2 * i
        wait_gather(0)
        pltpu.sync_copy(bufs[0], acc.at[dst_v.at[j]], add=True)
        gather(j + 2, 0)
        wait_gather(1)
        pltpu.sync_copy(bufs[1], acc.at[dst_v.at[j + 1]], add=True)
        gather(jnp.minimum(j + 3, NCHUNK - 1), 1)
        return carry

    lax.fori_loop(0, (NCHUNK - 1) // 2, body, 0)
    wait_gather(0)
    pltpu.sync_copy(bufs[0], acc.at[dst_v.at[NCHUNK - 1]], add=True)
    wait_gather(1)
    plsc.subcore_barrier()
    pltpu.sync_copy(acc.at[pl.ds(row0, ROWS_PER_TILE)],
                    out_hbm.at[cid, pl.ds(row0, ROWS_PER_TILE)])


def _tc1_body(deg0, deg1, x, W1, dis_o, t1p_o):
    deg = deg0[...] + deg1[...] + 1.0
    dis = lax.rsqrt(deg)
    dis_o[...] = dis
    t = lax.dot_general(x[...].astype(jnp.bfloat16), W1[...].astype(jnp.bfloat16),
                        (((1,), (1,)), ((), ())),
                        preferred_element_type=jnp.float32)
    t1p_o[...] = t * dis


def _tc2_body(aggp, t1p, dis, b1, gamma1, beta1, W2, t2p_o):
    d = dis[...]
    z = (aggp[0, :N, :] + aggp[1, :N, :] + t1p[...]) * d + b1[...]
    mu = jnp.mean(z, axis=0, keepdims=True)
    var = jnp.mean((z - mu) ** 2, axis=0, keepdims=True)
    h = jnp.maximum((z - mu) / jnp.sqrt(var + 1e-5) * gamma1[...] + beta1[...], 0.0)
    t2 = lax.dot_general(h.astype(jnp.bfloat16), W2[...].astype(jnp.bfloat16),
                         (((1,), (1,)), ((), ())),
                         preferred_element_type=jnp.float32)
    t2p_o[...] = t2 * d


def _tc3_body(aggp, t2p, dis, b2, gamma2, beta2, batch, Wl, bl, out_o):
    z = (aggp[0, :N, :] + aggp[1, :N, :] + t2p[...]) * dis[...] + b2[...]
    mu = jnp.mean(z, axis=0, keepdims=True)
    var = jnp.mean((z - mu) ** 2, axis=0, keepdims=True)
    h = jnp.maximum((z - mu) / jnp.sqrt(var + 1e-5) * gamma2[...] + beta2[...], 0.0)
    gid = lax.broadcasted_iota(jnp.int32, (G, N), 0)
    onehot = (batch[...] == gid).astype(jnp.float32)
    sums = lax.dot_general(onehot, h, (((1,), (0,)), ((), ())),
                           preferred_element_type=jnp.float32,
                        precision=lax.Precision.HIGHEST)
    cnt = jnp.sum(onehot, axis=1, keepdims=True)
    mean = sums / jnp.maximum(cnt, 1.0)
    mb = mean.astype(jnp.bfloat16).astype(jnp.float32)
    wb = Wl[...].astype(jnp.bfloat16).astype(jnp.float32)
    out_o[...] = jnp.sum(mb * wb, axis=1, keepdims=True) + bl[...]


def kernel(x, edge_index, batch, W1, b1, gamma1, beta1, W2, b2, gamma2, beta2,
           Wl, bl):
    ei = edge_index.reshape(2, NW, NCHUNK, CHUNK)
    zeros_row = jnp.zeros((ROWS_PER_TILE,), jnp.float32)
    zeros_mat = jnp.zeros((ROWS_PER_TILE, H), jnp.float32)
    ones_chunk = jnp.ones((CHUNK,), jnp.float32)

    degp = _sc_deg(ei, zeros_row, ones_chunk)
    deg0 = degp[0, :N].reshape(N, 1)
    deg1 = degp[1, :N].reshape(N, 1)

    dis, t1p = pl.pallas_call(
        _tc1_body,
        out_shape=[
            jax.ShapeDtypeStruct((N, 1), jnp.float32),
            jax.ShapeDtypeStruct((N, H), jnp.float32),
        ],
    )(deg0, deg1, x, W1)

    agg1 = _sc_agg(t1p, ei, zeros_mat)

    t2p = pl.pallas_call(
        _tc2_body,
        out_shape=jax.ShapeDtypeStruct((N, H), jnp.float32),
    )(agg1, t1p, dis, b1, gamma1, beta1, W2)

    agg2 = _sc_agg(t2p, ei, zeros_mat)

    out = pl.pallas_call(
        _tc3_body,
        out_shape=jax.ShapeDtypeStruct((G, 1), jnp.float32),
    )(agg2, t2p, dis, b2, gamma2, beta2,
      batch.reshape(1, N), Wl, bl)
    return out

# --- scband reference (transcript-rebuilt; emitter-appended) ---
"""Pipeline reference for scband-gcn-deeper-7687991460117 (READ-ONLY COPY).

The authoritative reference and input builder live on the scoring server;
editing this copy changes nothing except your own understanding.
"""

import jax, jax.numpy as jnp
import numpy as np

N = 10000
E = 320000
D = 128
H = 64
G = 128


def setup_inputs(seed: int = 0) -> dict:
    key = jax.random.key(seed)
    ks = jax.random.split(key, 16)
    x = jax.random.normal(ks[0], (N, D), dtype=jnp.float32)
    edge_index = jax.random.randint(ks[1], (2, E), 0, N, dtype=jnp.int32)
    batch = jnp.sort(jax.random.randint(ks[2], (N,), 0, G, dtype=jnp.int32))
    # GCNConv1: lin weight [64, 128] (kaiming uniform), bias [64]
    bound1 = float(np.sqrt(6.0 / D))
    W1 = jax.random.uniform(ks[3], (H, D), dtype=jnp.float32, minval=-bound1, maxval=bound1)
    b1 = jnp.zeros((H,), dtype=jnp.float32)
    gamma1 = jnp.ones((H,), dtype=jnp.float32)
    beta1 = jnp.zeros((H,), dtype=jnp.float32)
    # GCNConv2: lin weight [64, 64], bias [64]
    bound2 = float(np.sqrt(6.0 / H))
    W2 = jax.random.uniform(ks[4], (H, H), dtype=jnp.float32, minval=-bound2, maxval=bound2)
    b2 = jnp.zeros((H,), dtype=jnp.float32)
    gamma2 = jnp.ones((H,), dtype=jnp.float32)
    beta2 = jnp.zeros((H,), dtype=jnp.float32)
    # final Linear [1, 64]
    Wl = jax.random.uniform(ks[5], (1, H), dtype=jnp.float32, minval=-bound2, maxval=bound2)
    bl = jnp.zeros((1,), dtype=jnp.float32)
    return {"x": x, "edge_index": edge_index, "batch": batch,
            "W1": W1, "b1": b1, "gamma1": gamma1, "beta1": beta1,
            "W2": W2, "b2": b2, "gamma2": gamma2, "beta2": beta2,
            "Wl": Wl, "bl": bl}


def _gcn_conv(h, edge_index, W, b):
    # h: [N, d_in]; PyG GCNConv with add_self_loops=True, symmetric norm
    n = h.shape[0]
    h = h @ W.T
    src = edge_index[0]
    dst = edge_index[1]
    loop = jnp.arange(n, dtype=src.dtype)
    s = jnp.concatenate([src, loop])
    d = jnp.concatenate([dst, loop])
    deg = jnp.zeros((n,), dtype=h.dtype).at[d].add(1.0)
    dis = deg ** -0.5
    norm = dis[s] * dis[d]
    out = jnp.zeros_like(h).at[d].add(h[s] * norm[:, None])
    return out + b


def _bn(x, gamma, beta, eps=1e-5):
    # BatchNorm1d, training-mode batch statistics
    mu = jnp.mean(x, axis=0)
    var = jnp.mean((x - mu) ** 2, axis=0)
    return (x - mu) / jnp.sqrt(var + eps) * gamma + beta


def reference(x, edge_index, batch, W1, b1, gamma1, beta1, W2, b2, gamma2, beta2, Wl, bl):
    h = jax.nn.relu(_bn(_gcn_conv(x, edge_index, W1, b1), gamma1, beta1))
    # dropout is identity in deterministic/eval reference
    h = jax.nn.relu(_bn(_gcn_conv(h, edge_index, W2, b2), gamma2, beta2))
    sums = jax.ops.segment_sum(h, batch, num_segments=G)
    cnt = jax.ops.segment_sum(jnp.ones((h.shape[0],), dtype=h.dtype), batch, num_segments=G)
    mean = sums / jnp.maximum(cnt, 1.0)[:, None]
    return mean @ Wl.T + bl

if __name__ == "__main__":
    import jax
    _d = setup_inputs()
    print(jax.jit(kernel)(*tuple(_d.values())))

</pallas_src>

<mosaic_0001>
#map = affine_map<(d0, d1) -> (0, 0, 0, 0)>
#map1 = affine_map<(d0, d1) -> (0)>
#map2 = affine_map<(d0, d1) -> (0, 0)>
module attributes {stable_mosaic.version = 14 : i64} {
  func.func @_sc_deg(%arg0: i32, %arg1: i32, %arg2: memref<2x32x125x80xi32, #tpu.memory_space<hbm>>, %arg3: memref<640xf32, #tpu.memory_space<hbm>>, %arg4: memref<80xf32, #tpu.memory_space<hbm>>, %arg5: memref<2x10240xf32, #tpu.memory_space<hbm>>, %arg6: memref<125x80xi32, #tpu.memory_space<vmem>>, %arg7: memref<80xf32, #tpu.memory_space<vmem>>, %arg8: memref<10240xf32, #tpu.memory_space<vmem_shared>>, %arg9: memref<!tpu.dma_semaphore, #tpu.memory_space<semaphore_mem>>) attributes {dimension_semantics = [#tpu.dimension_semantics<core_parallel>, #tpu.dimension_semantics<subcore_parallel>], iteration_bounds = array<i64: 2, 16>, scalar_prefetch = 0 : i64, scratch_operands = 4 : i64, tpu.core_type = #tpu.core_type<sc_vector_subcore>, window_params = [{transform_indices = #map}, {transform_indices = #map1}, {transform_indices = #map1}, {transform_indices = #map2}]} {
    %mul3A = arith.constant 16 : i32
    %mul3A_0 = arith.muli %arg0, %mul3A : i32
    %add3A = arith.addi %mul3A_0, %arg1 : i32
    %mul3A_1 = arith.constant 640 : i32
    %mul3A_2 = arith.muli %arg1, %mul3A_1 : i32
    %multiple_of3A = tpu.assume_multiple %mul3A_2, 8 : i32
    "tpu.region"() ({
      %run_scoped3A_9 = tpu.sem_alloc : memref<!tpu.dma_semaphore, #tpu.memory_space<semaphore_mem>>
      %dma_start3A = tpu.memref_slice %arg8[%multiple_of3A] : memref<10240xf32, #tpu.memory_space<vmem_shared>> -> memref<640xf32, #tpu.memory_space<vmem_shared>>
      tpu.enqueue_dma source(%arg3 : memref<640xf32, #tpu.memory_space<hbm>>) target(%dma_start3A : memref<640xf32, #tpu.memory_space<vmem_shared>>) target_semaphore(%run_scoped3A_9 : memref<!tpu.dma_semaphore, #tpu.memory_space<semaphore_mem>>)
      %dma_wait3A = tpu.memref_slice %arg8[%multiple_of3A] : memref<10240xf32, #tpu.memory_space<vmem_shared>> -> memref<640xf32, #tpu.memory_space<vmem_shared>>
      tpu.wait_dma2 semaphore(%run_scoped3A_9 : memref<!tpu.dma_semaphore, #tpu.memory_space<semaphore_mem>>) src(%arg3 : memref<640xf32, #tpu.memory_space<hbm>>) dst(%dma_wait3A : memref<640xf32, #tpu.memory_space<vmem_shared>>)
      tpu.yield
    }) : () -> ()
    "tpu.region"() ({
      %run_scoped3A_9 = tpu.sem_alloc : memref<!tpu.dma_semaphore, #tpu.memory_space<semaphore_mem>>
      tpu.enqueue_dma source(%arg4 : memref<80xf32, #tpu.memory_space<hbm>>) target(%arg7 : memref<80xf32, #tpu.memory_space<vmem>>) target_semaphore(%run_scoped3A_9 : memref<!tpu.dma_semaphore, #tpu.memory_space<semaphore_mem>>)
      tpu.wait_dma2 semaphore(%run_scoped3A_9 : memref<!tpu.dma_semaphore, #tpu.memory_space<semaphore_mem>>) src(%arg4 : memref<80xf32, #tpu.memory_space<hbm>>) dst(%arg7 : memref<80xf32, #tpu.memory_space<vmem>>)
      tpu.yield
    }) : () -> ()
    %run_scoped3A = arith.constant 1 : i32
    "tpu.region"() ({
      %run_scoped3A_9 = tpu.sem_alloc : memref<!tpu.dma_semaphore, #tpu.memory_space<semaphore_mem>>
      %dma_start3A = arith.constant 0 : i32
      %dma_start3A_10 = arith.constant 0 : i32
      %dma_start3A_11 = tpu.memref_slice %arg2[%run_scoped3A, %add3A, %dma_start3A, %dma_start3A_10] : memref<2x32x125x80xi32, #tpu.memory_space<hbm>> -> memref<1x1x125x80xi32, #tpu.memory_space<hbm>>
      %dma_start3A_12 = tpu.memref_squeeze %dma_start3A_11 : memref<1x1x125x80xi32, #tpu.memory_space<hbm>> -> memref<125x80xi32, #tpu.memory_space<hbm>>
      %dma_start3A_13 = arith.constant 0 : i32
      %dma_start3A_14 = arith.constant 0 : i32
      %dma_start3A_15 = tpu.memref_slice %arg2[%run_scoped3A, %add3A, %dma_start3A_13, %dma_start3A_14] : memref<2x32x125x80xi32, #tpu.memory_space<hbm>> -> memref<1x1x125x80xi32, #tpu.memory_space<hbm>>
      %dma_start3A_16 = tpu.memref_squeeze %dma_start3A_15 : memref<1x1x125x80xi32, #tpu.memory_space<hbm>> -> memref<125x80xi32, #tpu.memory_space<hbm>>
      tpu.enqueue_dma source(%dma_start3A_16 : memref<125x80xi32, #tpu.memory_space<hbm>>) target(%arg6 : memref<125x80xi32, #tpu.memory_space<vmem>>) target_semaphore(%run_scoped3A_9 : memref<!tpu.dma_semaphore, #tpu.memory_space<semaphore_mem>>)
      %dma_wait3A = arith.constant 0 : i32
      %dma_wait3A_17 = arith.constant 0 : i32
      %dma_wait3A_18 = tpu.memref_slice %arg2[%run_scoped3A, %add3A, %dma_wait3A, %dma_wait3A_17] : memref<2x32x125x80xi32, #tpu.memory_space<hbm>> -> memref<1x1x125x80xi32, #tpu.memory_space<hbm>>
      %dma_wait3A_19 = tpu.memref_squeeze %dma_wait3A_18 : memref<1x1x125x80xi32, #tpu.memory_space<hbm>> -> memref<125x80xi32, #tpu.memory_space<hbm>>
      %dma_wait3A_20 = arith.constant 0 : i32
      %dma_wait3A_21 = arith.constant 0 : i32
      %dma_wait3A_22 = tpu.memref_slice %arg2[%run_scoped3A, %add3A, %dma_wait3A_20, %dma_wait3A_21] : memref<2x32x125x80xi32, #tpu.memory_space<hbm>> -> memref<1x1x125x80xi32, #tpu.memory_space<hbm>>
      %dma_wait3A_23 = tpu.memref_squeeze %dma_wait3A_22 : memref<1x1x125x80xi32, #tpu.memory_space<hbm>> -> memref<125x80xi32, #tpu.memory_space<hbm>>
      tpu.wait_dma2 semaphore(%run_scoped3A_9 : memref<!tpu.dma_semaphore, #tpu.memory_space<semaphore_mem>>) src(%dma_wait3A_23 : memref<125x80xi32, #tpu.memory_space<hbm>>) dst(%arg6 : memref<125x80xi32, #tpu.memory_space<vmem>>)
      tpu.yield
    }) : () -> ()
    %barrier3A = arith.constant 0 : index
    tpu.barrier barrier_id(%barrier3A)
    %scan3A = arith.constant 0 : i32
    %scan3A_3 = arith.constant 0 : i32
    %scan3A_4 = arith.constant 125 : i32
    %scan3A_5 = arith.addi %scan3A_3, %scan3A_4 : i32
    %scan3A_6 = arith.constant 1 : i32
    scf.for %scan3A_9 = %scan3A_3 to %scan3A_5 step %scan3A_6  : i32 {
      "tpu.region"() ({
        %run_scoped3A_10 = tpu.sem_alloc : memref<!tpu.dma_semaphore, #tpu.memory_space<semaphore_mem>>
        %dma_start3A = arith.constant 0 : i32
        %dma_start3A_11 = tpu.memref_slice %arg6[%scan3A_9, %dma_start3A] : memref<125x80xi32, #tpu.memory_space<vmem>> -> memref<1x80xi32, #tpu.memory_space<vmem>>
        %dma_start3A_12 = tpu.memref_squeeze %dma_start3A_11 : memref<1x80xi32, #tpu.memory_space<vmem>> -> memref<80xi32, #tpu.memory_space<vmem>>
        %dma_start3A_13 = arith.constant 0 : i32
        %dma_start3A_14 = tpu.memref_slice %arg8[%dma_start3A_13] : memref<10240xf32, #tpu.memory_space<vmem_shared>> -> memref<10240xf32, #tpu.memory_space<vmem_shared>>
        tpu.enqueue_indirect_dma source(%arg7 : memref<80xf32, #tpu.memory_space<vmem>>) target(%dma_start3A_14 : memref<10240xf32, #tpu.memory_space<vmem_shared>>) offsets(%dma_start3A_12 : memref<80xi32, #tpu.memory_space<vmem>>) semaphore(%run_scoped3A_10 : memref<!tpu.dma_semaphore, #tpu.memory_space<semaphore_mem>>) {add = true}
        %dma_wait3A = arith.constant 0 : i32
        %dma_wait3A_15 = tpu.memref_slice %arg6[%scan3A_9, %dma_wait3A] : memref<125x80xi32, #tpu.memory_space<vmem>> -> memref<1x80xi32, #tpu.memory_space<vmem>>
        %dma_wait3A_16 = tpu.memref_squeeze %dma_wait3A_15 : memref<1x80xi32, #tpu.memory_space<vmem>> -> memref<80xi32, #tpu.memory_space<vmem>>
        %dma_wait3A_17 = arith.constant 0 : i32
        %dma_wait3A_18 = tpu.memref_slice %arg8[%dma_wait3A_17] : memref<10240xf32, #tpu.memory_space<vmem_shared>> -> memref<10240xf32, #tpu.memory_space<vmem_shared>>
        tpu.wait_indirect_dma semaphore(%run_scoped3A_10 : memref<!tpu.dma_semaphore, #tpu.memory_space<semaphore_mem>>) src(%arg7 : memref<80xf32, #tpu.memory_space<vmem>>) dst(%dma_wait3A_18 : memref<10240xf32, #tpu.memory_space<vmem_shared>>)
        tpu.yield
      }) : () -> ()
    }
    %scan3A_7 = arith.constant 125 : i32
    %barrier3A_8 = arith.constant 0 : index
    tpu.barrier barrier_id(%barrier3A_8)
    "tpu.region"() ({
      %run_scoped3A_9 = tpu.sem_alloc : memref<!tpu.dma_semaphore, #tpu.memory_space<semaphore_mem>>
      %dma_start3A = tpu.memref_slice %arg5[%arg0, %multiple_of3A] : memref<2x10240xf32, #tpu.memory_space<hbm>> -> memref<1x640xf32, #tpu.memory_space<hbm>>
      %dma_start3A_10 = tpu.memref_squeeze %dma_start3A : memref<1x640xf32, #tpu.memory_space<hbm>> -> memref<640xf32, #tpu.memory_space<hbm>>
      %dma_start3A_11 = tpu.memref_slice %arg8[%multiple_of3A] : memref<10240xf32, #tpu.memory_space<vmem_shared>> -> memref<640xf32, #tpu.memory_space<vmem_shared>>
      tpu.enqueue_dma source(%dma_start3A_11 : memref<640xf32, #tpu.memory_space<vmem_shared>>) target(%dma_start3A_10 : memref<640xf32, #tpu.memory_space<hbm>>) target_semaphore(%run_scoped3A_9 : memref<!tpu.dma_semaphore, #tpu.memory_space<semaphore_mem>>)
      %dma_wait3A = tpu.memref_slice %arg5[%arg0, %multiple_of3A] : memref<2x10240xf32, #tpu.memory_space<hbm>> -> memref<1x640xf32, #tpu.memory_space<hbm>>
      %dma_wait3A_12 = tpu.memref_squeeze %dma_wait3A : memref<1x640xf32, #tpu.memory_space<hbm>> -> memref<640xf32, #tpu.memory_space<hbm>>
      %dma_wait3A_13 = tpu.memref_slice %arg8[%multiple_of3A] : memref<10240xf32, #tpu.memory_space<vmem_shared>> -> memref<640xf32, #tpu.memory_space<vmem_shared>>
      tpu.wait_dma2 semaphore(%run_scoped3A_9 : memref<!tpu.dma_semaphore, #tpu.memory_space<semaphore_mem>>) src(%dma_wait3A_13 : memref<640xf32, #tpu.memory_space<vmem_shared>>) dst(%dma_wait3A_12 : memref<640xf32, #tpu.memory_space<hbm>>)
      tpu.yield
    }) : () -> ()
    return
  }
}

#map = affine_map<(d0, d1) -> (0, 0)>
#map1 = affine_map<(d0, d1) -> (0, 0, 0, 0)>
#map2 = affine_map<(d0, d1) -> (0, 0, 0)>
module attributes {stable_mosaic.version = 14 : i64} {
  func.func @_sc_agg(%arg0: i32, %arg1: i32, %arg2: memref<10000x64xf32, #tpu.memory_space<hbm>>, %arg3: memref<2x32x125x80xi32, #tpu.memory_space<hbm>>, %arg4: memref<640x64xf32, #tpu.memory_space<hbm>>, %arg5: memref<2x10240x64xf32, #tpu.memory_space<hbm>>, %arg6: memref<125x80xi32, #tpu.memory_space<vmem>>, %arg7: memref<125x80xi32, #tpu.memory_space<vmem>>, %arg8: memref<80x64xf32, #tpu.memory_space<vmem>>, %arg9: memref<80x64xf32, #tpu.memory_space<vmem>>, %arg10: memref<!tpu.dma_semaphore, #tpu.memory_space<semaphore_mem>>, %arg11: memref<!tpu.dma_semaphore, #tpu.memory_space<semaphore_mem>>, %arg12: memref<10240x64xf32, #tpu.memory_space<vmem_shared>>) attributes {dimension_semantics = [#tpu.dimension_semantics<core_parallel>, #tpu.dimension_semantics<subcore_parallel>], iteration_bounds = array<i64: 2, 16>, scalar_prefetch = 0 : i64, scratch_operands = 7 : i64, tpu.core_type = #tpu.core_type<sc_vector_subcore>, window_params = [{transform_indices = #map}, {transform_indices = #map1}, {transform_indices = #map}, {transform_indices = #map2}]} {
    %mul3A = arith.constant 16 : i32
    %mul3A_0 = arith.muli %arg0, %mul3A : i32
    %add3A = arith.addi %mul3A_0, %arg1 : i32
    %mul3A_1 = arith.constant 640 : i32
    %mul3A_2 = arith.muli %arg1, %mul3A_1 : i32
    %multiple_of3A = tpu.assume_multiple %mul3A_2, 8 : i32
    "tpu.region"() ({
      %run_scoped3A_37 = tpu.sem_alloc : memref<!tpu.dma_semaphore, #tpu.memory_space<semaphore_mem>>
      %dma_start3A_38 = arith.constant 0 : i32
      %dma_start3A_39 = tpu.memref_slice %arg12[%multiple_of3A, %dma_start3A_38] : memref<10240x64xf32, #tpu.memory_space<vmem_shared>> -> memref<640x64xf32, #tpu.memory_space<vmem_shared>>
      tpu.enqueue_dma source(%arg4 : memref<640x64xf32, #tpu.memory_space<hbm>>) target(%dma_start3A_39 : memref<640x64xf32, #tpu.memory_space<vmem_shared>>) target_semaphore(%run_scoped3A_37 : memref<!tpu.dma_semaphore, #tpu.memory_space<semaphore_mem>>)
      %dma_wait3A_40 = arith.constant 0 : i32
      %dma_wait3A_41 = tpu.memref_slice %arg12[%multiple_of3A, %dma_wait3A_40] : memref<10240x64xf32, #tpu.memory_space<vmem_shared>> -> memref<640x64xf32, #tpu.memory_space<vmem_shared>>
      tpu.wait_dma2 semaphore(%run_scoped3A_37 : memref<!tpu.dma_semaphore, #tpu.memory_space<semaphore_mem>>) src(%arg4 : memref<640x64xf32, #tpu.memory_space<hbm>>) dst(%dma_wait3A_41 : memref<640x64xf32, #tpu.memory_space<vmem_shared>>)
      tpu.yield
    }) : () -> ()
    %run_scoped3A = arith.constant 0 : i32
    "tpu.region"() ({
      %run_scoped3A_37 = tpu.sem_alloc : memref<!tpu.dma_semaphore, #tpu.memory_space<semaphore_mem>>
      %dma_start3A_38 = arith.constant 0 : i32
      %dma_start3A_39 = arith.constant 0 : i32
      %dma_start3A_40 = tpu.memref_slice %arg3[%run_scoped3A, %add3A, %dma_start3A_38, %dma_start3A_39] : memref<2x32x125x80xi32, #tpu.memory_space<hbm>> -> memref<1x1x125x80xi32, #tpu.memory_space<hbm>>
      %dma_start3A_41 = tpu.memref_squeeze %dma_start3A_40 : memref<1x1x125x80xi32, #tpu.memory_space<hbm>> -> memref<125x80xi32, #tpu.memory_space<hbm>>
      %dma_start3A_42 = arith.constant 0 : i32
      %dma_start3A_43 = arith.constant 0 : i32
      %dma_start3A_44 = tpu.memref_slice %arg3[%run_scoped3A, %add3A, %dma_start3A_42, %dma_start3A_43] : memref<2x32x125x80xi32, #tpu.memory_space<hbm>> -> memref<1x1x125x80xi32, #tpu.memory_space<hbm>>
      %dma_start3A_45 = tpu.memref_squeeze %dma_start3A_44 : memref<1x1x125x80xi32, #tpu.memory_space<hbm>> -> memref<125x80xi32, #tpu.memory_space<hbm>>
      tpu.enqueue_dma source(%dma_start3A_45 : memref<125x80xi32, #tpu.memory_space<hbm>>) target(%arg6 : memref<125x80xi32, #tpu.memory_space<vmem>>) target_semaphore(%run_scoped3A_37 : memref<!tpu.dma_semaphore, #tpu.memory_space<semaphore_mem>>)
      %dma_wait3A_46 = arith.constant 0 : i32
      %dma_wait3A_47 = arith.constant 0 : i32
      %dma_wait3A_48 = tpu.memref_slice %arg3[%run_scoped3A, %add3A, %dma_wait3A_46, %dma_wait3A_47] : memref<2x32x125x80xi32, #tpu.memory_space<hbm>> -> memref<1x1x125x80xi32, #tpu.memory_space<hbm>>
      %dma_wait3A_49 = tpu.memref_squeeze %dma_wait3A_48 : memref<1x1x125x80xi32, #tpu.memory_space<hbm>> -> memref<125x80xi32, #tpu.memory_space<hbm>>
      %dma_wait3A_50 = arith.constant 0 : i32
      %dma_wait3A_51 = arith.constant 0 : i32
      %dma_wait3A_52 = tpu.memref_slice %arg3[%run_scoped3A, %add3A, %dma_wait3A_50, %dma_wait3A_51] : memref<2x32x125x80xi32, #tpu.memory_space<hbm>> -> memref<1x1x125x80xi32, #tpu.memory_space<hbm>>
      %dma_wait3A_53 = tpu.memref_squeeze %dma_wait3A_52 : memref<1x1x125x80xi32, #tpu.memory_space<hbm>> -> memref<125x80xi32, #tpu.memory_space<hbm>>
      tpu.wait_dma2 semaphore(%run_scoped3A_37 : memref<!tpu.dma_semaphore, #tpu.memory_space<semaphore_mem>>) src(%dma_wait3A_53 : memref<125x80xi32, #tpu.memory_space<hbm>>) dst(%arg6 : memref<125x80xi32, #tpu.memory_space<vmem>>)
      tpu.yield
    }) : () -> ()
    %run_scoped3A_3 = arith.constant 1 : i32
    "tpu.region"() ({
      %run_scoped3A_37 = tpu.sem_alloc : memref<!tpu.dma_semaphore, #tpu.memory_space<semaphore_mem>>
      %dma_start3A_38 = arith.constant 0 : i32
      %dma_start3A_39 = arith.constant 0 : i32
      %dma_start3A_40 = tpu.memref_slice %arg3[%run_scoped3A_3, %add3A, %dma_start3A_38, %dma_start3A_39] : memref<2x32x125x80xi32, #tpu.memory_space<hbm>> -> memref<1x1x125x80xi32, #tpu.memory_space<hbm>>
      %dma_start3A_41 = tpu.memref_squeeze %dma_start3A_40 : memref<1x1x125x80xi32, #tpu.memory_space<hbm>> -> memref<125x80xi32, #tpu.memory_space<hbm>>
      %dma_start3A_42 = arith.constant 0 : i32
      %dma_start3A_43 = arith.constant 0 : i32
      %dma_start3A_44 = tpu.memref_slice %arg3[%run_scoped3A_3, %add3A, %dma_start3A_42, %dma_start3A_43] : memref<2x32x125x80xi32, #tpu.memory_space<hbm>> -> memref<1x1x125x80xi32, #tpu.memory_space<hbm>>
      %dma_start3A_45 = tpu.memref_squeeze %dma_start3A_44 : memref<1x1x125x80xi32, #tpu.memory_space<hbm>> -> memref<125x80xi32, #tpu.memory_space<hbm>>
      tpu.enqueue_dma source(%dma_start3A_45 : memref<125x80xi32, #tpu.memory_space<hbm>>) target(%arg7 : memref<125x80xi32, #tpu.memory_space<vmem>>) target_semaphore(%run_scoped3A_37 : memref<!tpu.dma_semaphore, #tpu.memory_space<semaphore_mem>>)
      %dma_wait3A_46 = arith.constant 0 : i32
      %dma_wait3A_47 = arith.constant 0 : i32
      %dma_wait3A_48 = tpu.memref_slice %arg3[%run_scoped3A_3, %add3A, %dma_wait3A_46, %dma_wait3A_47] : memref<2x32x125x80xi32, #tpu.memory_space<hbm>> -> memref<1x1x125x80xi32, #tpu.memory_space<hbm>>
      %dma_wait3A_49 = tpu.memref_squeeze %dma_wait3A_48 : memref<1x1x125x80xi32, #tpu.memory_space<hbm>> -> memref<125x80xi32, #tpu.memory_space<hbm>>
      %dma_wait3A_50 = arith.constant 0 : i32
      %dma_wait3A_51 = arith.constant 0 : i32
      %dma_wait3A_52 = tpu.memref_slice %arg3[%run_scoped3A_3, %add3A, %dma_wait3A_50, %dma_wait3A_51] : memref<2x32x125x80xi32, #tpu.memory_space<hbm>> -> memref<1x1x125x80xi32, #tpu.memory_space<hbm>>
      %dma_wait3A_53 = tpu.memref_squeeze %dma_wait3A_52 : memref<1x1x125x80xi32, #tpu.memory_space<hbm>> -> memref<125x80xi32, #tpu.memory_space<hbm>>
      tpu.wait_dma2 semaphore(%run_scoped3A_37 : memref<!tpu.dma_semaphore, #tpu.memory_space<semaphore_mem>>) src(%dma_wait3A_53 : memref<125x80xi32, #tpu.memory_space<hbm>>) dst(%arg7 : memref<125x80xi32, #tpu.memory_space<vmem>>)
      tpu.yield
    }) : () -> ()
    %barrier3A = arith.constant 0 : index
    tpu.barrier barrier_id(%barrier3A)
    %dma_start3A = arith.constant 0 : i32
    %dma_start3A_4 = arith.constant 0 : i32
    %dma_start3A_5 = tpu.memref_slice %arg6[%dma_start3A, %dma_start3A_4] : memref<125x80xi32, #tpu.memory_space<vmem>> -> memref<1x80xi32, #tpu.memory_space<vmem>>
    %dma_start3A_6 = tpu.memref_squeeze %dma_start3A_5 : memref<1x80xi32, #tpu.memory_space<vmem>> -> memref<80xi32, #tpu.memory_space<vmem>>
    %dma_start3A_7 = arith.constant 0 : i32
    %dma_start3A_8 = arith.constant 0 : i32
    %dma_start3A_9 = tpu.memref_slice %arg2[%dma_start3A_7, %dma_start3A_8] : memref<10000x64xf32, #tpu.memory_space<hbm>> -> memref<10000x64xf32, #tpu.memory_space<hbm>>
    tpu.enqueue_indirect_dma source(%dma_start3A_9 : memref<10000x64xf32, #tpu.memory_space<hbm>>) target(%arg8 : memref<80x64xf32, #tpu.memory_space<vmem>>) offsets(%dma_start3A_6 : memref<80xi32, #tpu.memory_space<vmem>>) semaphore(%arg10 : memref<!tpu.dma_semaphore, #tpu.memory_space<semaphore_mem>>)
    %dma_start3A_10 = arith.constant 1 : i32
    %dma_start3A_11 = arith.constant 0 : i32
    %dma_start3A_12 = tpu.memref_slice %arg6[%dma_start3A_10, %dma_start3A_11] : memref<125x80xi32, #tpu.memory_space<vmem>> -> memref<1x80xi32, #tpu.memory_space<vmem>>
    %dma_start3A_13 = tpu.memref_squeeze %dma_start3A_12 : memref<1x80xi32, #tpu.memory_space<vmem>> -> memref<80xi32, #tpu.memory_space<vmem>>
    %dma_start3A_14 = arith.constant 0 : i32
    %dma_start3A_15 = arith.constant 0 : i32
    %dma_start3A_16 = tpu.memref_slice %arg2[%dma_start3A_14, %dma_start3A_15] : memref<10000x64xf32, #tpu.memory_space<hbm>> -> memref<10000x64xf32, #tpu.memory_space<hbm>>
    tpu.enqueue_indirect_dma source(%dma_start3A_16 : memref<10000x64xf32, #tpu.memory_space<hbm>>) target(%arg9 : memref<80x64xf32, #tpu.memory_space<vmem>>) offsets(%dma_start3A_13 : memref<80xi32, #tpu.memory_space<vmem>>) semaphore(%arg11 : memref<!tpu.dma_semaphore, #tpu.memory_space<semaphore_mem>>)
    %scan3A = arith.constant 0 : i32
    %scan3A_17 = arith.constant 0 : i32
    %scan3A_18 = arith.constant 62 : i32
    %scan3A_19 = arith.addi %scan3A_17, %scan3A_18 : i32
    %scan3A_20 = arith.constant 1 : i32
    scf.for %scan3A_37 = %scan3A_17 to %scan3A_19 step %scan3A_20  : i32 {
      %mul3A_38 = arith.constant 2 : i32
      %mul3A_39 = arith.muli %mul3A_38, %scan3A_37 : i32
      %dma_wait3A_40 = arith.constant 0 : i32
      %dma_wait3A_41 = arith.constant 0 : i32
      %dma_wait3A_42 = tpu.memref_slice %arg6[%dma_wait3A_40, %dma_wait3A_41] : memref<125x80xi32, #tpu.memory_space<vmem>> -> memref<1x80xi32, #tpu.memory_space<vmem>>
      %dma_wait3A_43 = tpu.memref_squeeze %dma_wait3A_42 : memref<1x80xi32, #tpu.memory_space<vmem>> -> memref<80xi32, #tpu.memory_space<vmem>>
      %dma_wait3A_44 = arith.constant 0 : i32
      %dma_wait3A_45 = arith.constant 0 : i32
      %dma_wait3A_46 = tpu.memref_slice %arg2[%dma_wait3A_44, %dma_wait3A_45] : memref<10000x64xf32, #tpu.memory_space<hbm>> -> memref<10000x64xf32, #tpu.memory_space<hbm>>
      tpu.wait_indirect_dma semaphore(%arg10 : memref<!tpu.dma_semaphore, #tpu.memory_space<semaphore_mem>>) src(%dma_wait3A_46 : memref<10000x64xf32, #tpu.memory_space<hbm>>) dst(%arg8 : memref<80x64xf32, #tpu.memory_space<vmem>>)
      "tpu.region"() ({
        %run_scoped3A_73 = tpu.sem_alloc : memref<!tpu.dma_semaphore, #tpu.memory_space<semaphore_mem>>
        %dma_start3A_74 = arith.constant 0 : i32
        %dma_start3A_75 = tpu.memref_slice %arg7[%mul3A_39, %dma_start3A_74] : memref<125x80xi32, #tpu.memory_space<vmem>> -> memref<1x80xi32, #tpu.memory_space<vmem>>
        %dma_start3A_76 = tpu.memref_squeeze %dma_start3A_75 : memref<1x80xi32, #tpu.memory_space<vmem>> -> memref<80xi32, #tpu.memory_space<vmem>>
        %dma_start3A_77 = arith.constant 0 : i32
        %dma_start3A_78 = arith.constant 0 : i32
        %dma_start3A_79 = tpu.memref_slice %arg12[%dma_start3A_77, %dma_start3A_78] : memref<10240x64xf32, #tpu.memory_space<vmem_shared>> -> memref<10240x64xf32, #tpu.memory_space<vmem_shared>>
        tpu.enqueue_indirect_dma source(%arg8 : memref<80x64xf32, #tpu.memory_space<vmem>>) target(%dma_start3A_79 : memref<10240x64xf32, #tpu.memory_space<vmem_shared>>) offsets(%dma_start3A_76 : memref<80xi32, #tpu.memory_space<vmem>>) semaphore(%run_scoped3A_73 : memref<!tpu.dma_semaphore, #tpu.memory_space<semaphore_mem>>) {add = true}
        %dma_wait3A_80 = arith.constant 0 : i32
        %dma_wait3A_81 = tpu.memref_slice %arg7[%mul3A_39, %dma_wait3A_80] : memref<125x80xi32, #tpu.memory_space<vmem>> -> memref<1x80xi32, #tpu.memory_space<vmem>>
        %dma_wait3A_82 = tpu.memref_squeeze %dma_wait3A_81 : memref<1x80xi32, #tpu.memory_space<vmem>> -> memref<80xi32, #tpu.memory_space<vmem>>
        %dma_wait3A_83 = arith.constant 0 : i32
        %dma_wait3A_84 = arith.constant 0 : i32
        %dma_wait3A_85 = tpu.memref_slice %arg12[%dma_wait3A_83, %dma_wait3A_84] : memref<10240x64xf32, #tpu.memory_space<vmem_shared>> -> memref<10240x64xf32, #tpu.memory_space<vmem_shared>>
        tpu.wait_indirect_dma semaphore(%run_scoped3A_73 : memref<!tpu.dma_semaphore, #tpu.memory_space<semaphore_mem>>) src(%arg8 : memref<80x64xf32, #tpu.memory_space<vmem>>) dst(%dma_wait3A_85 : memref<10240x64xf32, #tpu.memory_space<vmem_shared>>)
        tpu.yield
      }) : () -> ()
      %add3A_47 = arith.constant 2 : i32
      %add3A_48 = arith.addi %mul3A_39, %add3A_47 : i32
      %dma_start3A_49 = arith.constant 0 : i32
      %dma_start3A_50 = tpu.memref_slice %arg6[%add3A_48, %dma_start3A_49] : memref<125x80xi32, #tpu.memory_space<vmem>> -> memref<1x80xi32, #tpu.memory_space<vmem>>
      %dma_start3A_51 = tpu.memref_squeeze %dma_start3A_50 : memref<1x80xi32, #tpu.memory_space<vmem>> -> memref<80xi32, #tpu.memory_space<vmem>>
      %dma_start3A_52 = arith.constant 0 : i32
      %dma_start3A_53 = arith.constant 0 : i32
      %dma_start3A_54 = tpu.memref_slice %arg2[%dma_start3A_52, %dma_start3A_53] : memref<10000x64xf32, #tpu.memory_space<hbm>> -> memref<10000x64xf32, #tpu.memory_space<hbm>>
      tpu.enqueue_indirect_dma source(%dma_start3A_54 : memref<10000x64xf32, #tpu.memory_space<hbm>>) target(%arg8 : memref<80x64xf32, #tpu.memory_space<vmem>>) offsets(%dma_start3A_51 : memref<80xi32, #tpu.memory_space<vmem>>) semaphore(%arg10 : memref<!tpu.dma_semaphore, #tpu.memory_space<semaphore_mem>>)
      %dma_wait3A_55 = arith.constant 0 : i32
      %dma_wait3A_56 = arith.constant 0 : i32
      %dma_wait3A_57 = tpu.memref_slice %arg6[%dma_wait3A_55, %dma_wait3A_56] : memref<125x80xi32, #tpu.memory_space<vmem>> -> memref<1x80xi32, #tpu.memory_space<vmem>>
      %dma_wait3A_58 = tpu.memref_squeeze %dma_wait3A_57 : memref<1x80xi32, #tpu.memory_space<vmem>> -> memref<80xi32, #tpu.memory_space<vmem>>
      %dma_wait3A_59 = arith.constant 0 : i32
      %dma_wait3A_60 = arith.constant 0 : i32
      %dma_wait3A_61 = tpu.memref_slice %arg2[%dma_wait3A_59, %dma_wait3A_60] : memref<10000x64xf32, #tpu.memory_space<hbm>> -> memref<10000x64xf32, #tpu.memory_space<hbm>>
      tpu.wait_indirect_dma semaphore(%arg11 : memref<!tpu.dma_semaphore, #tpu.memory_space<semaphore_mem>>) src(%dma_wait3A_61 : memref<10000x64xf32, #tpu.memory_space<hbm>>) dst(%arg9 : memref<80x64xf32, #tpu.memory_space<vmem>>)
      %add3A_62 = arith.constant 1 : i32
      %add3A_63 = arith.addi %mul3A_39, %add3A_62 : i32
      "tpu.region"() ({
        %run_scoped3A_73 = tpu.sem_alloc : memref<!tpu.dma_semaphore, #tpu.memory_space<semaphore_mem>>
        %dma_start3A_74 = arith.constant 0 : i32
        %dma_start3A_75 = tpu.memref_slice %arg7[%add3A_63, %dma_start3A_74] : memref<125x80xi32, #tpu.memory_space<vmem>> -> memref<1x80xi32, #tpu.memory_space<vmem>>
        %dma_start3A_76 = tpu.memref_squeeze %dma_start3A_75 : memref<1x80xi32, #tpu.memory_space<vmem>> -> memref<80xi32, #tpu.memory_space<vmem>>
        %dma_start3A_77 = arith.constant 0 : i32
        %dma_start3A_78 = arith.constant 0 : i32
        %dma_start3A_79 = tpu.memref_slice %arg12[%dma_start3A_77, %dma_start3A_78] : memref<10240x64xf32, #tpu.memory_space<vmem_shared>> -> memref<10240x64xf32, #tpu.memory_space<vmem_shared>>
        tpu.enqueue_indirect_dma source(%arg9 : memref<80x64xf32, #tpu.memory_space<vmem>>) target(%dma_start3A_79 : memref<10240x64xf32, #tpu.memory_space<vmem_shared>>) offsets(%dma_start3A_76 : memref<80xi32, #tpu.memory_space<vmem>>) semaphore(%run_scoped3A_73 : memref<!tpu.dma_semaphore, #tpu.memory_space<semaphore_mem>>) {add = true}
        %dma_wait3A_80 = arith.constant 0 : i32
        %dma_wait3A_81 = tpu.memref_slice %arg7[%add3A_63, %dma_wait3A_80] : memref<125x80xi32, #tpu.memory_space<vmem>> -> memref<1x80xi32, #tpu.memory_space<vmem>>
        %dma_wait3A_82 = tpu.memref_squeeze %dma_wait3A_81 : memref<1x80xi32, #tpu.memory_space<vmem>> -> memref<80xi32, #tpu.memory_space<vmem>>
        %dma_wait3A_83 = arith.constant 0 : i32
        %dma_wait3A_84 = arith.constant 0 : i32
        %dma_wait3A_85 = tpu.memref_slice %arg12[%dma_wait3A_83, %dma_wait3A_84] : memref<10240x64xf32, #tpu.memory_space<vmem_shared>> -> memref<10240x64xf32, #tpu.memory_space<vmem_shared>>
        tpu.wait_indirect_dma semaphore(%run_scoped3A_73 : memref<!tpu.dma_semaphore, #tpu.memory_space<semaphore_mem>>) src(%arg9 : memref<80x64xf32, #tpu.memory_space<vmem>>) dst(%dma_wait3A_85 : memref<10240x64xf32, #tpu.memory_space<vmem_shared>>)
        tpu.yield
      }) : () -> ()
      %add3A_64 = arith.constant 3 : i32
      %add3A_65 = arith.addi %mul3A_39, %add3A_64 : i32
      %min3A = arith.constant 124 : i32
      %min3A_66 = arith.minsi %add3A_65, %min3A : i32
      %dma_start3A_67 = arith.constant 0 : i32
      %dma_start3A_68 = tpu.memref_slice %arg6[%min3A_66, %dma_start3A_67] : memref<125x80xi32, #tpu.memory_space<vmem>> -> memref<1x80xi32, #tpu.memory_space<vmem>>
      %dma_start3A_69 = tpu.memref_squeeze %dma_start3A_68 : memref<1x80xi32, #tpu.memory_space<vmem>> -> memref<80xi32, #tpu.memory_space<vmem>>
      %dma_start3A_70 = arith.constant 0 : i32
      %dma_start3A_71 = arith.constant 0 : i32
      %dma_start3A_72 = tpu.memref_slice %arg2[%dma_start3A_70, %dma_start3A_71] : memref<10000x64xf32, #tpu.memory_space<hbm>> -> memref<10000x64xf32, #tpu.memory_space<hbm>>
      tpu.enqueue_indirect_dma source(%dma_start3A_72 : memref<10000x64xf32, #tpu.memory_space<hbm>>) target(%arg9 : memref<80x64xf32, #tpu.memory_space<vmem>>) offsets(%dma_start3A_69 : memref<80xi32, #tpu.memory_space<vmem>>) semaphore(%arg11 : memref<!tpu.dma_semaphore, #tpu.memory_space<semaphore_mem>>)
    }
    %scan3A_21 = arith.constant 62 : i32
    %dma_wait3A = arith.constant 0 : i32
    %dma_wait3A_22 = arith.constant 0 : i32
    %dma_wait3A_23 = tpu.memref_slice %arg6[%dma_wait3A, %dma_wait3A_22] : memref<125x80xi32, #tpu.memory_space<vmem>> -> memref<1x80xi32, #tpu.memory_space<vmem>>
    %dma_wait3A_24 = tpu.memref_squeeze %dma_wait3A_23 : memref<1x80xi32, #tpu.memory_space<vmem>> -> memref<80xi32, #tpu.memory_space<vmem>>
    %dma_wait3A_25 = arith.constant 0 : i32
    %dma_wait3A_26 = arith.constant 0 : i32
    %dma_wait3A_27 = tpu.memref_slice %arg2[%dma_wait3A_25, %dma_wait3A_26] : memref<10000x64xf32, #tpu.memory_space<hbm>> -> memref<10000x64xf32, #tpu.memory_space<hbm>>
    tpu.wait_indirect_dma semaphore(%arg10 : memref<!tpu.dma_semaphore, #tpu.memory_space<semaphore_mem>>) src(%dma_wait3A_27 : memref<10000x64xf32, #tpu.memory_space<hbm>>) dst(%arg8 : memref<80x64xf32, #tpu.memory_space<vmem>>)
    %run_scoped3A_28 = arith.constant 124 : i32
    "tpu.region"() ({
      %run_scoped3A_37 = tpu.sem_alloc : memref<!tpu.dma_semaphore, #tpu.memory_space<semaphore_mem>>
      %dma_start3A_38 = arith.constant 0 : i32
      %dma_start3A_39 = tpu.memref_slice %arg7[%run_scoped3A_28, %dma_start3A_38] : memref<125x80xi32, #tpu.memory_space<vmem>> -> memref<1x80xi32, #tpu.memory_space<vmem>>
      %dma_start3A_40 = tpu.memref_squeeze %dma_start3A_39 : memref<1x80xi32, #tpu.memory_space<vmem>> -> memref<80xi32, #tpu.memory_space<vmem>>
      %dma_start3A_41 = arith.constant 0 : i32
      %dma_start3A_42 = arith.constant 0 : i32
      %dma_start3A_43 = tpu.memref_slice %arg12[%dma_start3A_41, %dma_start3A_42] : memref<10240x64xf32, #tpu.memory_space<vmem_shared>> -> memref<10240x64xf32, #tpu.memory_space<vmem_shared>>
      tpu.enqueue_indirect_dma source(%arg8 : memref<80x64xf32, #tpu.memory_space<vmem>>) target(%dma_start3A_43 : memref<10240x64xf32, #tpu.memory_space<vmem_shared>>) offsets(%dma_start3A_40 : memref<80xi32, #tpu.memory_space<vmem>>) semaphore(%run_scoped3A_37 : memref<!tpu.dma_semaphore, #tpu.memory_space<semaphore_mem>>) {add = true}
      %dma_wait3A_44 = arith.constant 0 : i32
      %dma_wait3A_45 = tpu.memref_slice %arg7[%run_scoped3A_28, %dma_wait3A_44] : memref<125x80xi32, #tpu.memory_space<vmem>> -> memref<1x80xi32, #tpu.memory_space<vmem>>
      %dma_wait3A_46 = tpu.memref_squeeze %dma_wait3A_45 : memref<1x80xi32, #tpu.memory_space<vmem>> -> memref<80xi32, #tpu.memory_space<vmem>>
      %dma_wait3A_47 = arith.constant 0 : i32
      %dma_wait3A_48 = arith.constant 0 : i32
      %dma_wait3A_49 = tpu.memref_slice %arg12[%dma_wait3A_47, %dma_wait3A_48] : memref<10240x64xf32, #tpu.memory_space<vmem_shared>> -> memref<10240x64xf32, #tpu.memory_space<vmem_shared>>
      tpu.wait_indirect_dma semaphore(%run_scoped3A_37 : memref<!tpu.dma_semaphore, #tpu.memory_space<semaphore_mem>>) src(%arg8 : memref<80x64xf32, #tpu.memory_space<vmem>>) dst(%dma_wait3A_49 : memref<10240x64xf32, #tpu.memory_space<vmem_shared>>)
      tpu.yield
    }) : () -> ()
    %dma_wait3A_29 = arith.constant 0 : i32
    %dma_wait3A_30 = arith.constant 0 : i32
    %dma_wait3A_31 = tpu.memref_slice %arg6[%dma_wait3A_29, %dma_wait3A_30] : memref<125x80xi32, #tpu.memory_space<vmem>> -> memref<1x80xi32, #tpu.memory_space<vmem>>
    %dma_wait3A_32 = tpu.memref_squeeze %dma_wait3A_31 : memref<1x80xi32, #tpu.memory_space<vmem>> -> memref<80xi32, #tpu.memory_space<vmem>>
    %dma_wait3A_33 = arith.constant 0 : i32
    %dma_wait3A_34 = arith.constant 0 : i32
    %dma_wait3A_35 = tpu.memref_slice %arg2[%dma_wait3A_33, %dma_wait3A_34] : memref<10000x64xf32, #tpu.memory_space<hbm>> -> memref<10000x64xf32, #tpu.memory_space<hbm>>
    tpu.wait_indirect_dma semaphore(%arg11 : memref<!tpu.dma_semaphore, #tpu.memory_space<semaphore_mem>>) src(%dma_wait3A_35 : memref<10000x64xf32, #tpu.memory_space<hbm>>) dst(%arg9 : memref<80x64xf32, #tpu.memory_space<vmem>>)
    %barrier3A_36 = arith.constant 0 : index
    tpu.barrier barrier_id(%barrier3A_36)
    "tpu.region"() ({
      %run_scoped3A_37 = tpu.sem_alloc : memref<!tpu.dma_semaphore, #tpu.memory_space<semaphore_mem>>
      %dma_start3A_38 = arith.constant 0 : i32
      %dma_start3A_39 = tpu.memref_slice %arg5[%arg0, %multiple_of3A, %dma_start3A_38] : memref<2x10240x64xf32, #tpu.memory_space<hbm>> -> memref<1x640x64xf32, #tpu.memory_space<hbm>>
      %dma_start3A_40 = tpu.memref_squeeze %dma_start3A_39 : memref<1x640x64xf32, #tpu.memory_space<hbm>> -> memref<640x64xf32, #tpu.memory_space<hbm>>
      %dma_start3A_41 = arith.constant 0 : i32
      %dma_start3A_42 = tpu.memref_slice %arg12[%multiple_of3A, %dma_start3A_41] : memref<10240x64xf32, #tpu.memory_space<vmem_shared>> -> memref<640x64xf32, #tpu.memory_space<vmem_shared>>
      tpu.enqueue_dma source(%dma_start3A_42 : memref<640x64xf32, #tpu.memory_space<vmem_shared>>) target(%dma_start3A_40 : memref<640x64xf32, #tpu.memory_space<hbm>>) target_semaphore(%run_scoped3A_37 : memref<!tpu.dma_semaphore, #tpu.memory_space<semaphore_mem>>)
      %dma_wait3A_43 = arith.constant 0 : i32
      %dma_wait3A_44 = tpu.memref_slice %arg5[%arg0, %multiple_of3A, %dma_wait3A_43] : memref<2x10240x64xf32, #tpu.memory_space<hbm>> -> memref<1x640x64xf32, #tpu.memory_space<hbm>>
      %dma_wait3A_45 = tpu.memref_squeeze %dma_wait3A_44 : memref<1x640x64xf32, #tpu.memory_space<hbm>> -> memref<640x64xf32, #tpu.memory_space<hbm>>
      %dma_wait3A_46 = arith.constant 0 : i32
      %dma_wait3A_47 = tpu.memref_slice %arg12[%multiple_of3A, %dma_wait3A_46] : memref<10240x64xf32, #tpu.memory_space<vmem_shared>> -> memref<640x64xf32, #tpu.memory_space<vmem_shared>>
      tpu.wait_dma2 semaphore(%run_scoped3A_37 : memref<!tpu.dma_semaphore, #tpu.memory_space<semaphore_mem>>) src(%dma_wait3A_47 : memref<640x64xf32, #tpu.memory_space<vmem_shared>>) dst(%dma_wait3A_45 : memref<640x64xf32, #tpu.memory_space<hbm>>)
      tpu.yield
    }) : () -> ()
    return
  }
}

#map = affine_map<(d0, d1) -> (0, 0)>
#map1 = affine_map<(d0, d1) -> (0, 0, 0, 0)>
#map2 = affine_map<(d0, d1) -> (0, 0, 0)>
module attributes {stable_mosaic.version = 14 : i64} {
  func.func @_sc_agg(%arg0: i32, %arg1: i32, %arg2: memref<10000x64xf32, #tpu.memory_space<hbm>>, %arg3: memref<2x32x125x80xi32, #tpu.memory_space<hbm>>, %arg4: memref<640x64xf32, #tpu.memory_space<hbm>>, %arg5: memref<2x10240x64xf32, #tpu.memory_space<hbm>>, %arg6: memref<125x80xi32, #tpu.memory_space<vmem>>, %arg7: memref<125x80xi32, #tpu.memory_space<vmem>>, %arg8: memref<80x64xf32, #tpu.memory_space<vmem>>, %arg9: memref<80x64xf32, #tpu.memory_space<vmem>>, %arg10: memref<!tpu.dma_semaphore, #tpu.memory_space<semaphore_mem>>, %arg11: memref<!tpu.dma_semaphore, #tpu.memory_space<semaphore_mem>>, %arg12: memref<10240x64xf32, #tpu.memory_space<vmem_shared>>) attributes {dimension_semantics = [#tpu.dimension_semantics<core_parallel>, #tpu.dimension_semantics<subcore_parallel>], iteration_bounds = array<i64: 2, 16>, scalar_prefetch = 0 : i64, scratch_operands = 7 : i64, tpu.core_type = #tpu.core_type<sc_vector_subcore>, window_params = [{transform_indices = #map}, {transform_indices = #map1}, {transform_indices = #map}, {transform_indices = #map2}]} {
    %mul3A = arith.constant 16 : i32
    %mul3A_0 = arith.muli %arg0, %mul3A : i32
    %add3A = arith.addi %mul3A_0, %arg1 : i32
    %mul3A_1 = arith.constant 640 : i32
    %mul3A_2 = arith.muli %arg1, %mul3A_1 : i32
    %multiple_of3A = tpu.assume_multiple %mul3A_2, 8 : i32
    "tpu.region"() ({
      %run_scoped3A_37 = tpu.sem_alloc : memref<!tpu.dma_semaphore, #tpu.memory_space<semaphore_mem>>
      %dma_start3A_38 = arith.constant 0 : i32
      %dma_start3A_39 = tpu.memref_slice %arg12[%multiple_of3A, %dma_start3A_38] : memref<10240x64xf32, #tpu.memory_space<vmem_shared>> -> memref<640x64xf32, #tpu.memory_space<vmem_shared>>
      tpu.enqueue_dma source(%arg4 : memref<640x64xf32, #tpu.memory_space<hbm>>) target(%dma_start3A_39 : memref<640x64xf32, #tpu.memory_space<vmem_shared>>) target_semaphore(%run_scoped3A_37 : memref<!tpu.dma_semaphore, #tpu.memory_space<semaphore_mem>>)
      %dma_wait3A_40 = arith.constant 0 : i32
      %dma_wait3A_41 = tpu.memref_slice %arg12[%multiple_of3A, %dma_wait3A_40] : memref<10240x64xf32, #tpu.memory_space<vmem_shared>> -> memref<640x64xf32, #tpu.memory_space<vmem_shared>>
      tpu.wait_dma2 semaphore(%run_scoped3A_37 : memref<!tpu.dma_semaphore, #tpu.memory_space<semaphore_mem>>) src(%arg4 : memref<640x64xf32, #tpu.memory_space<hbm>>) dst(%dma_wait3A_41 : memref<640x64xf32, #tpu.memory_space<vmem_shared>>)
      tpu.yield
    }) : () -> ()
    %run_scoped3A = arith.constant 0 : i32
    "tpu.region"() ({
      %run_scoped3A_37 = tpu.sem_alloc : memref<!tpu.dma_semaphore, #tpu.memory_space<semaphore_mem>>
      %dma_start3A_38 = arith.constant 0 : i32
      %dma_start3A_39 = arith.constant 0 : i32
      %dma_start3A_40 = tpu.memref_slice %arg3[%run_scoped3A, %add3A, %dma_start3A_38, %dma_start3A_39] : memref<2x32x125x80xi32, #tpu.memory_space<hbm>> -> memref<1x1x125x80xi32, #tpu.memory_space<hbm>>
      %dma_start3A_41 = tpu.memref_squeeze %dma_start3A_40 : memref<1x1x125x80xi32, #tpu.memory_space<hbm>> -> memref<125x80xi32, #tpu.memory_space<hbm>>
      %dma_start3A_42 = arith.constant 0 : i32
      %dma_start3A_43 = arith.constant 0 : i32
      %dma_start3A_44 = tpu.memref_slice %arg3[%run_scoped3A, %add3A, %dma_start3A_42, %dma_start3A_43] : memref<2x32x125x80xi32, #tpu.memory_space<hbm>> -> memref<1x1x125x80xi32, #tpu.memory_space<hbm>>
      %dma_start3A_45 = tpu.memref_squeeze %dma_start3A_44 : memref<1x1x125x80xi32, #tpu.memory_space<hbm>> -> memref<125x80xi32, #tpu.memory_space<hbm>>
      tpu.enqueue_dma source(%dma_start3A_45 : memref<125x80xi32, #tpu.memory_space<hbm>>) target(%arg6 : memref<125x80xi32, #tpu.memory_space<vmem>>) target_semaphore(%run_scoped3A_37 : memref<!tpu.dma_semaphore, #tpu.memory_space<semaphore_mem>>)
      %dma_wait3A_46 = arith.constant 0 : i32
      %dma_wait3A_47 = arith.constant 0 : i32
      %dma_wait3A_48 = tpu.memref_slice %arg3[%run_scoped3A, %add3A, %dma_wait3A_46, %dma_wait3A_47] : memref<2x32x125x80xi32, #tpu.memory_space<hbm>> -> memref<1x1x125x80xi32, #tpu.memory_space<hbm>>
      %dma_wait3A_49 = tpu.memref_squeeze %dma_wait3A_48 : memref<1x1x125x80xi32, #tpu.memory_space<hbm>> -> memref<125x80xi32, #tpu.memory_space<hbm>>
      %dma_wait3A_50 = arith.constant 0 : i32
      %dma_wait3A_51 = arith.constant 0 : i32
      %dma_wait3A_52 = tpu.memref_slice %arg3[%run_scoped3A, %add3A, %dma_wait3A_50, %dma_wait3A_51] : memref<2x32x125x80xi32, #tpu.memory_space<hbm>> -> memref<1x1x125x80xi32, #tpu.memory_space<hbm>>
      %dma_wait3A_53 = tpu.memref_squeeze %dma_wait3A_52 : memref<1x1x125x80xi32, #tpu.memory_space<hbm>> -> memref<125x80xi32, #tpu.memory_space<hbm>>
      tpu.wait_dma2 semaphore(%run_scoped3A_37 : memref<!tpu.dma_semaphore, #tpu.memory_space<semaphore_mem>>) src(%dma_wait3A_53 : memref<125x80xi32, #tpu.memory_space<hbm>>) dst(%arg6 : memref<125x80xi32, #tpu.memory_space<vmem>>)
      tpu.yield
    }) : () -> ()
    %run_scoped3A_3 = arith.constant 1 : i32
    "tpu.region"() ({
      %run_scoped3A_37 = tpu.sem_alloc : memref<!tpu.dma_semaphore, #tpu.memory_space<semaphore_mem>>
      %dma_start3A_38 = arith.constant 0 : i32
      %dma_start3A_39 = arith.constant 0 : i32
      %dma_start3A_40 = tpu.memref_slice %arg3[%run_scoped3A_3, %add3A, %dma_start3A_38, %dma_start3A_39] : memref<2x32x125x80xi32, #tpu.memory_space<hbm>> -> memref<1x1x125x80xi32, #tpu.memory_space<hbm>>
      %dma_start3A_41 = tpu.memref_squeeze %dma_start3A_40 : memref<1x1x125x80xi32, #tpu.memory_space<hbm>> -> memref<125x80xi32, #tpu.memory_space<hbm>>
      %dma_start3A_42 = arith.constant 0 : i32
      %dma_start3A_43 = arith.constant 0 : i32
      %dma_start3A_44 = tpu.memref_slice %arg3[%run_scoped3A_3, %add3A, %dma_start3A_42, %dma_start3A_43] : memref<2x32x125x80xi32, #tpu.memory_space<hbm>> -> memref<1x1x125x80xi32, #tpu.memory_space<hbm>>
      %dma_start3A_45 = tpu.memref_squeeze %dma_start3A_44 : memref<1x1x125x80xi32, #tpu.memory_space<hbm>> -> memref<125x80xi32, #tpu.memory_space<hbm>>
      tpu.enqueue_dma source(%dma_start3A_45 : memref<125x80xi32, #tpu.memory_space<hbm>>) target(%arg7 : memref<125x80xi32, #tpu.memory_space<vmem>>) target_semaphore(%run_scoped3A_37 : memref<!tpu.dma_semaphore, #tpu.memory_space<semaphore_mem>>)
      %dma_wait3A_46 = arith.constant 0 : i32
      %dma_wait3A_47 = arith.constant 0 : i32
      %dma_wait3A_48 = tpu.memref_slice %arg3[%run_scoped3A_3, %add3A, %dma_wait3A_46, %dma_wait3A_47] : memref<2x32x125x80xi32, #tpu.memory_space<hbm>> -> memref<1x1x125x80xi32, #tpu.memory_space<hbm>>
      %dma_wait3A_49 = tpu.memref_squeeze %dma_wait3A_48 : memref<1x1x125x80xi32, #tpu.memory_space<hbm>> -> memref<125x80xi32, #tpu.memory_space<hbm>>
      %dma_wait3A_50 = arith.constant 0 : i32
      %dma_wait3A_51 = arith.constant 0 : i32
      %dma_wait3A_52 = tpu.memref_slice %arg3[%run_scoped3A_3, %add3A, %dma_wait3A_50, %dma_wait3A_51] : memref<2x32x125x80xi32, #tpu.memory_space<hbm>> -> memref<1x1x125x80xi32, #tpu.memory_space<hbm>>
      %dma_wait3A_53 = tpu.memref_squeeze %dma_wait3A_52 : memref<1x1x125x80xi32, #tpu.memory_space<hbm>> -> memref<125x80xi32, #tpu.memory_space<hbm>>
      tpu.wait_dma2 semaphore(%run_scoped3A_37 : memref<!tpu.dma_semaphore, #tpu.memory_space<semaphore_mem>>) src(%dma_wait3A_53 : memref<125x80xi32, #tpu.memory_space<hbm>>) dst(%arg7 : memref<125x80xi32, #tpu.memory_space<vmem>>)
      tpu.yield
    }) : () -> ()
    %barrier3A = arith.constant 0 : index
    tpu.barrier barrier_id(%barrier3A)
    %dma_start3A = arith.constant 0 : i32
    %dma_start3A_4 = arith.constant 0 : i32
    %dma_start3A_5 = tpu.memref_slice %arg6[%dma_start3A, %dma_start3A_4] : memref<125x80xi32, #tpu.memory_space<vmem>> -> memref<1x80xi32, #tpu.memory_space<vmem>>
    %dma_start3A_6 = tpu.memref_squeeze %dma_start3A_5 : memref<1x80xi32, #tpu.memory_space<vmem>> -> memref<80xi32, #tpu.memory_space<vmem>>
    %dma_start3A_7 = arith.constant 0 : i32
    %dma_start3A_8 = arith.constant 0 : i32
    %dma_start3A_9 = tpu.memref_slice %arg2[%dma_start3A_7, %dma_start3A_8] : memref<10000x64xf32, #tpu.memory_space<hbm>> -> memref<10000x64xf32, #tpu.memory_space<hbm>>
    tpu.enqueue_indirect_dma source(%dma_start3A_9 : memref<10000x64xf32, #tpu.memory_space<hbm>>) target(%arg8 : memref<80x64xf32, #tpu.memory_space<vmem>>) offsets(%dma_start3A_6 : memref<80xi32, #tpu.memory_space<vmem>>) semaphore(%arg10 : memref<!tpu.dma_semaphore, #tpu.memory_space<semaphore_mem>>)
    %dma_start3A_10 = arith.constant 1 : i32
    %dma_start3A_11 = arith.constant 0 : i32
    %dma_start3A_12 = tpu.memref_slice %arg6[%dma_start3A_10, %dma_start3A_11] : memref<125x80xi32, #tpu.memory_space<vmem>> -> memref<1x80xi32, #tpu.memory_space<vmem>>
    %dma_start3A_13 = tpu.memref_squeeze %dma_start3A_12 : memref<1x80xi32, #tpu.memory_space<vmem>> -> memref<80xi32, #tpu.memory_space<vmem>>
    %dma_start3A_14 = arith.constant 0 : i32
    %dma_start3A_15 = arith.constant 0 : i32
    %dma_start3A_16 = tpu.memref_slice %arg2[%dma_start3A_14, %dma_start3A_15] : memref<10000x64xf32, #tpu.memory_space<hbm>> -> memref<10000x64xf32, #tpu.memory_space<hbm>>
    tpu.enqueue_indirect_dma source(%dma_start3A_16 : memref<10000x64xf32, #tpu.memory_space<hbm>>) target(%arg9 : memref<80x64xf32, #tpu.memory_space<vmem>>) offsets(%dma_start3A_13 : memref<80xi32, #tpu.memory_space<vmem>>) semaphore(%arg11 : memref<!tpu.dma_semaphore, #tpu.memory_space<semaphore_mem>>)
    %scan3A = arith.constant 0 : i32
    %scan3A_17 = arith.constant 0 : i32
    %scan3A_18 = arith.constant 62 : i32
    %scan3A_19 = arith.addi %scan3A_17, %scan3A_18 : i32
    %scan3A_20 = arith.constant 1 : i32
    scf.for %scan3A_37 = %scan3A_17 to %scan3A_19 step %scan3A_20  : i32 {
      %mul3A_38 = arith.constant 2 : i32
      %mul3A_39 = arith.muli %mul3A_38, %scan3A_37 : i32
      %dma_wait3A_40 = arith.constant 0 : i32
      %dma_wait3A_41 = arith.constant 0 : i32
      %dma_wait3A_42 = tpu.memref_slice %arg6[%dma_wait3A_40, %dma_wait3A_41] : memref<125x80xi32, #tpu.memory_space<vmem>> -> memref<1x80xi32, #tpu.memory_space<vmem>>
      %dma_wait3A_43 = tpu.memref_squeeze %dma_wait3A_42 : memref<1x80xi32, #tpu.memory_space<vmem>> -> memref<80xi32, #tpu.memory_space<vmem>>
      %dma_wait3A_44 = arith.constant 0 : i32
      %dma_wait3A_45 = arith.constant 0 : i32
      %dma_wait3A_46 = tpu.memref_slice %arg2[%dma_wait3A_44, %dma_wait3A_45] : memref<10000x64xf32, #tpu.memory_space<hbm>> -> memref<10000x64xf32, #tpu.memory_space<hbm>>
      tpu.wait_indirect_dma semaphore(%arg10 : memref<!tpu.dma_semaphore, #tpu.memory_space<semaphore_mem>>) src(%dma_wait3A_46 : memref<10000x64xf32, #tpu.memory_space<hbm>>) dst(%arg8 : memref<80x64xf32, #tpu.memory_space<vmem>>)
      "tpu.region"() ({
        %run_scoped3A_73 = tpu.sem_alloc : memref<!tpu.dma_semaphore, #tpu.memory_space<semaphore_mem>>
        %dma_start3A_74 = arith.constant 0 : i32
        %dma_start3A_75 = tpu.memref_slice %arg7[%mul3A_39, %dma_start3A_74] : memref<125x80xi32, #tpu.memory_space<vmem>> -> memref<1x80xi32, #tpu.memory_space<vmem>>
        %dma_start3A_76 = tpu.memref_squeeze %dma_start3A_75 : memref<1x80xi32, #tpu.memory_space<vmem>> -> memref<80xi32, #tpu.memory_space<vmem>>
        %dma_start3A_77 = arith.constant 0 : i32
        %dma_start3A_78 = arith.constant 0 : i32
        %dma_start3A_79 = tpu.memref_slice %arg12[%dma_start3A_77, %dma_start3A_78] : memref<10240x64xf32, #tpu.memory_space<vmem_shared>> -> memref<10240x64xf32, #tpu.memory_space<vmem_shared>>
        tpu.enqueue_indirect_dma source(%arg8 : memref<80x64xf32, #tpu.memory_space<vmem>>) target(%dma_start3A_79 : memref<10240x64xf32, #tpu.memory_space<vmem_shared>>) offsets(%dma_start3A_76 : memref<80xi32, #tpu.memory_space<vmem>>) semaphore(%run_scoped3A_73 : memref<!tpu.dma_semaphore, #tpu.memory_space<semaphore_mem>>) {add = true}
        %dma_wait3A_80 = arith.constant 0 : i32
        %dma_wait3A_81 = tpu.memref_slice %arg7[%mul3A_39, %dma_wait3A_80] : memref<125x80xi32, #tpu.memory_space<vmem>> -> memref<1x80xi32, #tpu.memory_space<vmem>>
        %dma_wait3A_82 = tpu.memref_squeeze %dma_wait3A_81 : memref<1x80xi32, #tpu.memory_space<vmem>> -> memref<80xi32, #tpu.memory_space<vmem>>
        %dma_wait3A_83 = arith.constant 0 : i32
        %dma_wait3A_84 = arith.constant 0 : i32
        %dma_wait3A_85 = tpu.memref_slice %arg12[%dma_wait3A_83, %dma_wait3A_84] : memref<10240x64xf32, #tpu.memory_space<vmem_shared>> -> memref<10240x64xf32, #tpu.memory_space<vmem_shared>>
        tpu.wait_indirect_dma semaphore(%run_scoped3A_73 : memref<!tpu.dma_semaphore, #tpu.memory_space<semaphore_mem>>) src(%arg8 : memref<80x64xf32, #tpu.memory_space<vmem>>) dst(%dma_wait3A_85 : memref<10240x64xf32, #tpu.memory_space<vmem_shared>>)
        tpu.yield
      }) : () -> ()
      %add3A_47 = arith.constant 2 : i32
      %add3A_48 = arith.addi %mul3A_39, %add3A_47 : i32
      %dma_start3A_49 = arith.constant 0 : i32
      %dma_start3A_50 = tpu.memref_slice %arg6[%add3A_48, %dma_start3A_49] : memref<125x80xi32, #tpu.memory_space<vmem>> -> memref<1x80xi32, #tpu.memory_space<vmem>>
      %dma_start3A_51 = tpu.memref_squeeze %dma_start3A_50 : memref<1x80xi32, #tpu.memory_space<vmem>> -> memref<80xi32, #tpu.memory_space<vmem>>
      %dma_start3A_52 = arith.constant 0 : i32
      %dma_start3A_53 = arith.constant 0 : i32
      %dma_start3A_54 = tpu.memref_slice %arg2[%dma_start3A_52, %dma_start3A_53] : memref<10000x64xf32, #tpu.memory_space<hbm>> -> memref<10000x64xf32, #tpu.memory_space<hbm>>
      tpu.enqueue_indirect_dma source(%dma_start3A_54 : memref<10000x64xf32, #tpu.memory_space<hbm>>) target(%arg8 : memref<80x64xf32, #tpu.memory_space<vmem>>) offsets(%dma_start3A_51 : memref<80xi32, #tpu.memory_space<vmem>>) semaphore(%arg10 : memref<!tpu.dma_semaphore, #tpu.memory_space<semaphore_mem>>)
      %dma_wait3A_55 = arith.constant 0 : i32
      %dma_wait3A_56 = arith.constant 0 : i32
      %dma_wait3A_57 = tpu.memref_slice %arg6[%dma_wait3A_55, %dma_wait3A_56] : memref<125x80xi32, #tpu.memory_space<vmem>> -> memref<1x80xi32, #tpu.memory_space<vmem>>
      %dma_wait3A_58 = tpu.memref_squeeze %dma_wait3A_57 : memref<1x80xi32, #tpu.memory_space<vmem>> -> memref<80xi32, #tpu.memory_space<vmem>>
      %dma_wait3A_59 = arith.constant 0 : i32
      %dma_wait3A_60 = arith.constant 0 : i32
      %dma_wait3A_61 = tpu.memref_slice %arg2[%dma_wait3A_59, %dma_wait3A_60] : memref<10000x64xf32, #tpu.memory_space<hbm>> -> memref<10000x64xf32, #tpu.memory_space<hbm>>
      tpu.wait_indirect_dma semaphore(%arg11 : memref<!tpu.dma_semaphore, #tpu.memory_space<semaphore_mem>>) src(%dma_wait3A_61 : memref<10000x64xf32, #tpu.memory_space<hbm>>) dst(%arg9 : memref<80x64xf32, #tpu.memory_space<vmem>>)
      %add3A_62 = arith.constant 1 : i32
      %add3A_63 = arith.addi %mul3A_39, %add3A_62 : i32
      "tpu.region"() ({
        %run_scoped3A_73 = tpu.sem_alloc : memref<!tpu.dma_semaphore, #tpu.memory_space<semaphore_mem>>
        %dma_start3A_74 = arith.constant 0 : i32
        %dma_start3A_75 = tpu.memref_slice %arg7[%add3A_63, %dma_start3A_74] : memref<125x80xi32, #tpu.memory_space<vmem>> -> memref<1x80xi32, #tpu.memory_space<vmem>>
        %dma_start3A_76 = tpu.memref_squeeze %dma_start3A_75 : memref<1x80xi32, #tpu.memory_space<vmem>> -> memref<80xi32, #tpu.memory_space<vmem>>
        %dma_start3A_77 = arith.constant 0 : i32
        %dma_start3A_78 = arith.constant 0 : i32
        %dma_start3A_79 = tpu.memref_slice %arg12[%dma_start3A_77, %dma_start3A_78] : memref<10240x64xf32, #tpu.memory_space<vmem_shared>> -> memref<10240x64xf32, #tpu.memory_space<vmem_shared>>
        tpu.enqueue_indirect_dma source(%arg9 : memref<80x64xf32, #tpu.memory_space<vmem>>) target(%dma_start3A_79 : memref<10240x64xf32, #tpu.memory_space<vmem_shared>>) offsets(%dma_start3A_76 : memref<80xi32, #tpu.memory_space<vmem>>) semaphore(%run_scoped3A_73 : memref<!tpu.dma_semaphore, #tpu.memory_space<semaphore_mem>>) {add = true}
        %dma_wait3A_80 = arith.constant 0 : i32
        %dma_wait3A_81 = tpu.memref_slice %arg7[%add3A_63, %dma_wait3A_80] : memref<125x80xi32, #tpu.memory_space<vmem>> -> memref<1x80xi32, #tpu.memory_space<vmem>>
        %dma_wait3A_82 = tpu.memref_squeeze %dma_wait3A_81 : memref<1x80xi32, #tpu.memory_space<vmem>> -> memref<80xi32, #tpu.memory_space<vmem>>
        %dma_wait3A_83 = arith.constant 0 : i32
        %dma_wait3A_84 = arith.constant 0 : i32
        %dma_wait3A_85 = tpu.memref_slice %arg12[%dma_wait3A_83, %dma_wait3A_84] : memref<10240x64xf32, #tpu.memory_space<vmem_shared>> -> memref<10240x64xf32, #tpu.memory_space<vmem_shared>>
        tpu.wait_indirect_dma semaphore(%run_scoped3A_73 : memref<!tpu.dma_semaphore, #tpu.memory_space<semaphore_mem>>) src(%arg9 : memref<80x64xf32, #tpu.memory_space<vmem>>) dst(%dma_wait3A_85 : memref<10240x64xf32, #tpu.memory_space<vmem_shared>>)
        tpu.yield
      }) : () -> ()
      %add3A_64 = arith.constant 3 : i32
      %add3A_65 = arith.addi %mul3A_39, %add3A_64 : i32
      %min3A = arith.constant 124 : i32
      %min3A_66 = arith.minsi %add3A_65, %min3A : i32
      %dma_start3A_67 = arith.constant 0 : i32
      %dma_start3A_68 = tpu.memref_slice %arg6[%min3A_66, %dma_start3A_67] : memref<125x80xi32, #tpu.memory_space<vmem>> -> memref<1x80xi32, #tpu.memory_space<vmem>>
      %dma_start3A_69 = tpu.memref_squeeze %dma_start3A_68 : memref<1x80xi32, #tpu.memory_space<vmem>> -> memref<80xi32, #tpu.memory_space<vmem>>
      %dma_start3A_70 = arith.constant 0 : i32
      %dma_start3A_71 = arith.constant 0 : i32
      %dma_start3A_72 = tpu.memref_slice %arg2[%dma_start3A_70, %dma_start3A_71] : memref<10000x64xf32, #tpu.memory_space<hbm>> -> memref<10000x64xf32, #tpu.memory_space<hbm>>
      tpu.enqueue_indirect_dma source(%dma_start3A_72 : memref<10000x64xf32, #tpu.memory_space<hbm>>) target(%arg9 : memref<80x64xf32, #tpu.memory_space<vmem>>) offsets(%dma_start3A_69 : memref<80xi32, #tpu.memory_space<vmem>>) semaphore(%arg11 : memref<!tpu.dma_semaphore, #tpu.memory_space<semaphore_mem>>)
    }
    %scan3A_21 = arith.constant 62 : i32
    %dma_wait3A = arith.constant 0 : i32
    %dma_wait3A_22 = arith.constant 0 : i32
    %dma_wait3A_23 = tpu.memref_slice %arg6[%dma_wait3A, %dma_wait3A_22] : memref<125x80xi32, #tpu.memory_space<vmem>> -> memref<1x80xi32, #tpu.memory_space<vmem>>
    %dma_wait3A_24 = tpu.memref_squeeze %dma_wait3A_23 : memref<1x80xi32, #tpu.memory_space<vmem>> -> memref<80xi32, #tpu.memory_space<vmem>>
    %dma_wait3A_25 = arith.constant 0 : i32
    %dma_wait3A_26 = arith.constant 0 : i32
    %dma_wait3A_27 = tpu.memref_slice %arg2[%dma_wait3A_25, %dma_wait3A_26] : memref<10000x64xf32, #tpu.memory_space<hbm>> -> memref<10000x64xf32, #tpu.memory_space<hbm>>
    tpu.wait_indirect_dma semaphore(%arg10 : memref<!tpu.dma_semaphore, #tpu.memory_space<semaphore_mem>>) src(%dma_wait3A_27 : memref<10000x64xf32, #tpu.memory_space<hbm>>) dst(%arg8 : memref<80x64xf32, #tpu.memory_space<vmem>>)
    %run_scoped3A_28 = arith.constant 124 : i32
    "tpu.region"() ({
      %run_scoped3A_37 = tpu.sem_alloc : memref<!tpu.dma_semaphore, #tpu.memory_space<semaphore_mem>>
      %dma_start3A_38 = arith.constant 0 : i32
      %dma_start3A_39 = tpu.memref_slice %arg7[%run_scoped3A_28, %dma_start3A_38] : memref<125x80xi32, #tpu.memory_space<vmem>> -> memref<1x80xi32, #tpu.memory_space<vmem>>
      %dma_start3A_40 = tpu.memref_squeeze %dma_start3A_39 : memref<1x80xi32, #tpu.memory_space<vmem>> -> memref<80xi32, #tpu.memory_space<vmem>>
      %dma_start3A_41 = arith.constant 0 : i32
      %dma_start3A_42 = arith.constant 0 : i32
      %dma_start3A_43 = tpu.memref_slice %arg12[%dma_start3A_41, %dma_start3A_42] : memref<10240x64xf32, #tpu.memory_space<vmem_shared>> -> memref<10240x64xf32, #tpu.memory_space<vmem_shared>>
      tpu.enqueue_indirect_dma source(%arg8 : memref<80x64xf32, #tpu.memory_space<vmem>>) target(%dma_start3A_43 : memref<10240x64xf32, #tpu.memory_space<vmem_shared>>) offsets(%dma_start3A_40 : memref<80xi32, #tpu.memory_space<vmem>>) semaphore(%run_scoped3A_37 : memref<!tpu.dma_semaphore, #tpu.memory_space<semaphore_mem>>) {add = true}
      %dma_wait3A_44 = arith.constant 0 : i32
      %dma_wait3A_45 = tpu.memref_slice %arg7[%run_scoped3A_28, %dma_wait3A_44] : memref<125x80xi32, #tpu.memory_space<vmem>> -> memref<1x80xi32, #tpu.memory_space<vmem>>
      %dma_wait3A_46 = tpu.memref_squeeze %dma_wait3A_45 : memref<1x80xi32, #tpu.memory_space<vmem>> -> memref<80xi32, #tpu.memory_space<vmem>>
      %dma_wait3A_47 = arith.constant 0 : i32
      %dma_wait3A_48 = arith.constant 0 : i32
      %dma_wait3A_49 = tpu.memref_slice %arg12[%dma_wait3A_47, %dma_wait3A_48] : memref<10240x64xf32, #tpu.memory_space<vmem_shared>> -> memref<10240x64xf32, #tpu.memory_space<vmem_shared>>
      tpu.wait_indirect_dma semaphore(%run_scoped3A_37 : memref<!tpu.dma_semaphore, #tpu.memory_space<semaphore_mem>>) src(%arg8 : memref<80x64xf32, #tpu.memory_space<vmem>>) dst(%dma_wait3A_49 : memref<10240x64xf32, #tpu.memory_space<vmem_shared>>)
      tpu.yield
    }) : () -> ()
    %dma_wait3A_29 = arith.constant 0 : i32
    %dma_wait3A_30 = arith.constant 0 : i32
    %dma_wait3A_31 = tpu.memref_slice %arg6[%dma_wait3A_29, %dma_wait3A_30] : memref<125x80xi32, #tpu.memory_space<vmem>> -> memref<1x80xi32, #tpu.memory_space<vmem>>
    %dma_wait3A_32 = tpu.memref_squeeze %dma_wait3A_31 : memref<1x80xi32, #tpu.memory_space<vmem>> -> memref<80xi32, #tpu.memory_space<vmem>>
    %dma_wait3A_33 = arith.constant 0 : i32
    %dma_wait3A_34 = arith.constant 0 : i32
    %dma_wait3A_35 = tpu.memref_slice %arg2[%dma_wait3A_33, %dma_wait3A_34] : memref<10000x64xf32, #tpu.memory_space<hbm>> -> memref<10000x64xf32, #tpu.memory_space<hbm>>
    tpu.wait_indirect_dma semaphore(%arg11 : memref<!tpu.dma_semaphore, #tpu.memory_space<semaphore_mem>>) src(%dma_wait3A_35 : memref<10000x64xf32, #tpu.memory_space<hbm>>) dst(%arg9 : memref<80x64xf32, #tpu.memory_space<vmem>>)
    %barrier3A_36 = arith.constant 0 : index
    tpu.barrier barrier_id(%barrier3A_36)
    "tpu.region"() ({
      %run_scoped3A_37 = tpu.sem_alloc : memref<!tpu.dma_semaphore, #tpu.memory_space<semaphore_mem>>
      %dma_start3A_38 = arith.constant 0 : i32
      %dma_start3A_39 = tpu.memref_slice %arg5[%arg0, %multiple_of3A, %dma_start3A_38] : memref<2x10240x64xf32, #tpu.memory_space<hbm>> -> memref<1x640x64xf32, #tpu.memory_space<hbm>>
      %dma_start3A_40 = tpu.memref_squeeze %dma_start3A_39 : memref<1x640x64xf32, #tpu.memory_space<hbm>> -> memref<640x64xf32, #tpu.memory_space<hbm>>
      %dma_start3A_41 = arith.constant 0 : i32
      %dma_start3A_42 = tpu.memref_slice %arg12[%multiple_of3A, %dma_start3A_41] : memref<10240x64xf32, #tpu.memory_space<vmem_shared>> -> memref<640x64xf32, #tpu.memory_space<vmem_shared>>
      tpu.enqueue_dma source(%dma_start3A_42 : memref<640x64xf32, #tpu.memory_space<vmem_shared>>) target(%dma_start3A_40 : memref<640x64xf32, #tpu.memory_space<hbm>>) target_semaphore(%run_scoped3A_37 : memref<!tpu.dma_semaphore, #tpu.memory_space<semaphore_mem>>)
      %dma_wait3A_43 = arith.constant 0 : i32
      %dma_wait3A_44 = tpu.memref_slice %arg5[%arg0, %multiple_of3A, %dma_wait3A_43] : memref<2x10240x64xf32, #tpu.memory_space<hbm>> -> memref<1x640x64xf32, #tpu.memory_space<hbm>>
      %dma_wait3A_45 = tpu.memref_squeeze %dma_wait3A_44 : memref<1x640x64xf32, #tpu.memory_space<hbm>> -> memref<640x64xf32, #tpu.memory_space<hbm>>
      %dma_wait3A_46 = arith.constant 0 : i32
      %dma_wait3A_47 = tpu.memref_slice %arg12[%multiple_of3A, %dma_wait3A_46] : memref<10240x64xf32, #tpu.memory_space<vmem_shared>> -> memref<640x64xf32, #tpu.memory_space<vmem_shared>>
      tpu.wait_dma2 semaphore(%run_scoped3A_37 : memref<!tpu.dma_semaphore, #tpu.memory_space<semaphore_mem>>) src(%dma_wait3A_47 : memref<640x64xf32, #tpu.memory_space<vmem_shared>>) dst(%dma_wait3A_45 : memref<640x64xf32, #tpu.memory_space<hbm>>)
      tpu.yield
    }) : () -> ()
    return
  }
}

module attributes {stable_mosaic.version = 14 : i64} {
  func.func @_tc1_body(%arg0: memref<10000x1xf32, #tpu.memory_space<vmem>>, %arg1: memref<10000x1xf32, #tpu.memory_space<vmem>>, %arg2: memref<10000x128xf32, #tpu.memory_space<vmem>>, %arg3: memref<64x128xf32, #tpu.memory_space<vmem>>, %arg4: memref<10000x1xf32, #tpu.memory_space<vmem>>, %arg5: memref<10000x64xf32, #tpu.memory_space<vmem>>) attributes {dimension_semantics = [], scalar_prefetch = 0 : i64, scratch_operands = 0 : i64, tpu.core_type = #tpu.core_type<tc>} {
    %get3A = arith.constant 0 : index
    %get3A_0 = arith.constant 0 : index
    %get3A_1 = vector.load %arg0[%get3A, %get3A_0] : memref<10000x1xf32, #tpu.memory_space<vmem>>, vector<10000x1xf32>
    %get3A_2 = arith.constant 0 : index
    %get3A_3 = arith.constant 0 : index
    %get3A_4 = vector.load %arg1[%get3A_2, %get3A_3] : memref<10000x1xf32, #tpu.memory_space<vmem>>, vector<10000x1xf32>
    %add3A = arith.addf %get3A_1, %get3A_4 : vector<10000x1xf32>
    %add3A_5 = arith.constant 1.000000e+00 : f32
    %add3A_6 = vector.broadcast %add3A_5 : f32 to vector<10000x1xf32>
    %add3A_7 = arith.addf %add3A, %add3A_6 : vector<10000x1xf32>
    %rsqrt3A = math.rsqrt %add3A_7 : vector<10000x1xf32>
    %swap3A = arith.constant 0 : index
    %swap3A_8 = arith.constant 0 : index
    %swap3A_9 = vector.load %arg4[%swap3A, %swap3A_8] : memref<10000x1xf32, #tpu.memory_space<vmem>>, vector<10000x1xf32>
    tpu.vector_store %arg4[%swap3A, %swap3A_8], %rsqrt3A {strides = array<i32>} : memref<10000x1xf32, #tpu.memory_space<vmem>>, vector<10000x1xf32>,
    %get3A_10 = arith.constant 0 : index
    %get3A_11 = arith.constant 0 : index
    %get3A_12 = vector.load %arg2[%get3A_10, %get3A_11] : memref<10000x128xf32, #tpu.memory_space<vmem>>, vector<10000x128xf32>
    %convert_element_type3A = arith.truncf %get3A_12 : vector<10000x128xf32> to vector<10000x128xbf16>
    %get3A_13 = arith.constant 0 : index
    %get3A_14 = arith.constant 0 : index
    %get3A_15 = vector.load %arg3[%get3A_13, %get3A_14] : memref<64x128xf32, #tpu.memory_space<vmem>>, vector<64x128xf32>
    %convert_element_type3A_16 = arith.truncf %get3A_15 : vector<64x128xf32> to vector<64x128xbf16>
    %dot_general3A = arith.constant dense<0.000000e+00> : vector<10000x64xf32>
    %dot_general3A_17 = tpu.matmul %convert_element_type3A, %convert_element_type3A_16, %dot_general3A {dimension_numbers = #tpu.dot_dimension_numbers<[1], [1], [0], [0], [0, 0, 1, 0], [], []>, transpose_lhs_hint = false} : vector<10000x128xbf16>, vector<64x128xbf16>, vector<10000x64xf32> -> vector<10000x64xf32>
    %mul3A = vector.broadcast %rsqrt3A : vector<10000x1xf32> to vector<10000x64xf32>
    %mul3A_18 = arith.mulf %dot_general3A_17, %mul3A : vector<10000x64xf32>
    %swap3A_19 = arith.constant 0 : index
    %swap3A_20 = arith.constant 0 : index
    %swap3A_21 = vector.load %arg5[%swap3A_19, %swap3A_20] : memref<10000x64xf32, #tpu.memory_space<vmem>>, vector<10000x64xf32>
    tpu.vector_store %arg5[%swap3A_19, %swap3A_20], %mul3A_18 {strides = array<i32>} : memref<10000x64xf32, #tpu.memory_space<vmem>>, vector<10000x64xf32>,
    return
  }
}

module attributes {stable_mosaic.version = 14 : i64} {
  func.func @_tc2_body(%arg0: memref<2x10240x64xf32, #tpu.memory_space<vmem>>, %arg1: memref<10000x64xf32, #tpu.memory_space<vmem>>, %arg2: memref<10000x1xf32, #tpu.memory_space<vmem>>, %arg3: memref<64xf32, #tpu.memory_space<vmem>>, %arg4: memref<64xf32, #tpu.memory_space<vmem>>, %arg5: memref<64xf32, #tpu.memory_space<vmem>>, %arg6: memref<64x64xf32, #tpu.memory_space<vmem>>, %arg7: memref<10000x64xf32, #tpu.memory_space<vmem>>) attributes {dimension_semantics = [], scalar_prefetch = 0 : i64, scratch_operands = 0 : i64, tpu.core_type = #tpu.core_type<tc>} {
    %get3A = arith.constant 0 : index
    %get3A_0 = arith.constant 0 : index
    %get3A_1 = vector.load %arg2[%get3A, %get3A_0] : memref<10000x1xf32, #tpu.memory_space<vmem>>, vector<10000x1xf32>
    %get3A_2 = arith.constant 0 : index
    %get3A_3 = arith.constant 0 : index
    %get3A_4 = arith.constant 0 : index
    %get3A_5 = vector.load %arg0[%get3A_2, %get3A_3, %get3A_4] : memref<2x10240x64xf32, #tpu.memory_space<vmem>>, vector<1x10000x64xf32>
    %get3A_6 = vector.shape_cast %get3A_5 : vector<1x10000x64xf32> to vector<10000x64xf32>
    %get3A_7 = arith.constant 1 : index
    %get3A_8 = arith.constant 0 : index
    %get3A_9 = arith.constant 0 : index
    %get3A_10 = vector.load %arg0[%get3A_7, %get3A_8, %get3A_9] : memref<2x10240x64xf32, #tpu.memory_space<vmem>>, vector<1x10000x64xf32>
    %get3A_11 = vector.shape_cast %get3A_10 : vector<1x10000x64xf32> to vector<10000x64xf32>
    %add3A = arith.addf %get3A_6, %get3A_11 : vector<10000x64xf32>
    %get3A_12 = arith.constant 0 : index
    %get3A_13 = arith.constant 0 : index
    %get3A_14 = vector.load %arg1[%get3A_12, %get3A_13] : memref<10000x64xf32, #tpu.memory_space<vmem>>, vector<10000x64xf32>
    %add3A_15 = arith.addf %add3A, %get3A_14 : vector<10000x64xf32>
    %mul3A = vector.broadcast %get3A_1 : vector<10000x1xf32> to vector<10000x64xf32>
    %mul3A_16 = arith.mulf %add3A_15, %mul3A : vector<10000x64xf32>
    %get3A_17 = arith.constant 0 : index
    %get3A_18 = vector.load %arg3[%get3A_17] : memref<64xf32, #tpu.memory_space<vmem>>, vector<64xf32>
    %broadcast_in_dim3A = vector.shape_cast %get3A_18 : vector<64xf32> to vector<1x64xf32>
    %add3A_19 = vector.broadcast %broadcast_in_dim3A : vector<1x64xf32> to vector<10000x64xf32>
    %add3A_20 = arith.addf %mul3A_16, %add3A_19 : vector<10000x64xf32>
    %reduce_sum3A = arith.constant dense<0.000000e+00> : vector<64xf32>
    %reduce_sum3A_21 = vector.multi_reduction <add>, %add3A_20, %reduce_sum3A [0] : vector<10000x64xf32> to vector<64xf32>
    %broadcast_in_dim3A_22 = vector.shape_cast %reduce_sum3A_21 : vector<64xf32> to vector<1x64xf32>
    %div3A = arith.constant 1.000000e+04 : f32
    %div3A_23 = vector.broadcast %div3A : f32 to vector<1x64xf32>
    %div3A_24 = arith.divf %broadcast_in_dim3A_22, %div3A_23 : vector<1x64xf32>
    %sub3A = vector.broadcast %div3A_24 : vector<1x64xf32> to vector<10000x64xf32>
    %sub3A_25 = arith.subf %add3A_20, %sub3A : vector<10000x64xf32>
    %integer_pow3A = arith.mulf %sub3A_25, %sub3A_25 : vector<10000x64xf32>
    %reduce_sum3A_26 = arith.constant dense<0.000000e+00> : vector<64xf32>
    %reduce_sum3A_27 = vector.multi_reduction <add>, %integer_pow3A, %reduce_sum3A_26 [0] : vector<10000x64xf32> to vector<64xf32>
    %broadcast_in_dim3A_28 = vector.shape_cast %reduce_sum3A_27 : vector<64xf32> to vector<1x64xf32>
    %div3A_29 = arith.constant 1.000000e+04 : f32
    %div3A_30 = vector.broadcast %div3A_29 : f32 to vector<1x64xf32>
    %div3A_31 = arith.divf %broadcast_in_dim3A_28, %div3A_30 : vector<1x64xf32>
    %sub3A_32 = vector.broadcast %div3A_24 : vector<1x64xf32> to vector<10000x64xf32>
    %sub3A_33 = arith.subf %add3A_20, %sub3A_32 : vector<10000x64xf32>
    %add3A_34 = arith.constant 9.99999974E-6 : f32
    %add3A_35 = vector.broadcast %add3A_34 : f32 to vector<1x64xf32>
    %add3A_36 = arith.addf %div3A_31, %add3A_35 : vector<1x64xf32>
    %sqrt3A = math.sqrt %add3A_36 : vector<1x64xf32>
    %div3A_37 = vector.broadcast %sqrt3A : vector<1x64xf32> to vector<10000x64xf32>
    %div3A_38 = arith.divf %sub3A_33, %div3A_37 : vector<10000x64xf32>
    %get3A_39 = arith.constant 0 : index
    %get3A_40 = vector.load %arg4[%get3A_39] : memref<64xf32, #tpu.memory_space<vmem>>, vector<64xf32>
    %broadcast_in_dim3A_41 = vector.shape_cast %get3A_40 : vector<64xf32> to vector<1x64xf32>
    %mul3A_42 = vector.broadcast %broadcast_in_dim3A_41 : vector<1x64xf32> to vector<10000x64xf32>
    %mul3A_43 = arith.mulf %div3A_38, %mul3A_42 : vector<10000x64xf32>
    %get3A_44 = arith.constant 0 : index
    %get3A_45 = vector.load %arg5[%get3A_44] : memref<64xf32, #tpu.memory_space<vmem>>, vector<64xf32>
    %broadcast_in_dim3A_46 = vector.shape_cast %get3A_45 : vector<64xf32> to vector<1x64xf32>
    %add3A_47 = vector.broadcast %broadcast_in_dim3A_46 : vector<1x64xf32> to vector<10000x64xf32>
    %add3A_48 = arith.addf %mul3A_43, %add3A_47 : vector<10000x64xf32>
    %max3A = arith.constant 0.000000e+00 : f32
    %max3A_49 = vector.broadcast %max3A : f32 to vector<10000x64xf32>
    %max3A_50 = arith.maximumf %add3A_48, %max3A_49 : vector<10000x64xf32>
    %convert_element_type3A = arith.truncf %max3A_50 : vector<10000x64xf32> to vector<10000x64xbf16>
    %get3A_51 = arith.constant 0 : index
    %get3A_52 = arith.constant 0 : index
    %get3A_53 = vector.load %arg6[%get3A_51, %get3A_52] : memref<64x64xf32, #tpu.memory_space<vmem>>, vector<64x64xf32>
    %convert_element_type3A_54 = arith.truncf %get3A_53 : vector<64x64xf32> to vector<64x64xbf16>
    %dot_general3A = arith.constant dense<0.000000e+00> : vector<10000x64xf32>
    %dot_general3A_55 = tpu.matmul %convert_element_type3A, %convert_element_type3A_54, %dot_general3A {dimension_numbers = #tpu.dot_dimension_numbers<[1], [1], [0], [0], [0, 0, 1, 0], [], []>, transpose_lhs_hint = false} : vector<10000x64xbf16>, vector<64x64xbf16>, vector<10000x64xf32> -> vector<10000x64xf32>
    %mul3A_56 = vector.broadcast %get3A_1 : vector<10000x1xf32> to vector<10000x64xf32>
    %mul3A_57 = arith.mulf %dot_general3A_55, %mul3A_56 : vector<10000x64xf32>
    %swap3A = arith.constant 0 : index
    %swap3A_58 = arith.constant 0 : index
    %swap3A_59 = vector.load %arg7[%swap3A, %swap3A_58] : memref<10000x64xf32, #tpu.memory_space<vmem>>, vector<10000x64xf32>
    tpu.vector_store %arg7[%swap3A, %swap3A_58], %mul3A_57 {strides = array<i32>} : memref<10000x64xf32, #tpu.memory_space<vmem>>, vector<10000x64xf32>,
    return
  }
}

module attributes {stable_mosaic.version = 14 : i64} {
  func.func @_tc3_body(%arg0: memref<2x10240x64xf32, #tpu.memory_space<vmem>>, %arg1: memref<10000x64xf32, #tpu.memory_space<vmem>>, %arg2: memref<10000x1xf32, #tpu.memory_space<vmem>>, %arg3: memref<64xf32, #tpu.memory_space<vmem>>, %arg4: memref<64xf32, #tpu.memory_space<vmem>>, %arg5: memref<64xf32, #tpu.memory_space<vmem>>, %arg6: memref<1x10000xi32, #tpu.memory_space<vmem>>, %arg7: memref<1x64xf32, #tpu.memory_space<vmem>>, %arg8: memref<1xf32, #tpu.memory_space<vmem>>, %arg9: memref<128x1xf32, #tpu.memory_space<vmem>>) attributes {dimension_semantics = [], scalar_prefetch = 0 : i64, scratch_operands = 0 : i64, tpu.core_type = #tpu.core_type<tc>} {
    %get3A = arith.constant 0 : index
    %get3A_0 = arith.constant 0 : index
    %get3A_1 = arith.constant 0 : index
    %get3A_2 = vector.load %arg0[%get3A, %get3A_0, %get3A_1] : memref<2x10240x64xf32, #tpu.memory_space<vmem>>, vector<1x10000x64xf32>
    %get3A_3 = vector.shape_cast %get3A_2 : vector<1x10000x64xf32> to vector<10000x64xf32>
    %get3A_4 = arith.constant 1 : index
    %get3A_5 = arith.constant 0 : index
    %get3A_6 = arith.constant 0 : index
    %get3A_7 = vector.load %arg0[%get3A_4, %get3A_5, %get3A_6] : memref<2x10240x64xf32, #tpu.memory_space<vmem>>, vector<1x10000x64xf32>
    %get3A_8 = vector.shape_cast %get3A_7 : vector<1x10000x64xf32> to vector<10000x64xf32>
    %add3A = arith.addf %get3A_3, %get3A_8 : vector<10000x64xf32>
    %get3A_9 = arith.constant 0 : index
    %get3A_10 = arith.constant 0 : index
    %get3A_11 = vector.load %arg1[%get3A_9, %get3A_10] : memref<10000x64xf32, #tpu.memory_space<vmem>>, vector<10000x64xf32>
    %add3A_12 = arith.addf %add3A, %get3A_11 : vector<10000x64xf32>
    %get3A_13 = arith.constant 0 : index
    %get3A_14 = arith.constant 0 : index
    %get3A_15 = vector.load %arg2[%get3A_13, %get3A_14] : memref<10000x1xf32, #tpu.memory_space<vmem>>, vector<10000x1xf32>
    %mul3A = vector.broadcast %get3A_15 : vector<10000x1xf32> to vector<10000x64xf32>
    %mul3A_16 = arith.mulf %add3A_12, %mul3A : vector<10000x64xf32>
    %get3A_17 = arith.constant 0 : index
    %get3A_18 = vector.load %arg3[%get3A_17] : memref<64xf32, #tpu.memory_space<vmem>>, vector<64xf32>
    %broadcast_in_dim3A = vector.shape_cast %get3A_18 : vector<64xf32> to vector<1x64xf32>
    %add3A_19 = vector.broadcast %broadcast_in_dim3A : vector<1x64xf32> to vector<10000x64xf32>
    %add3A_20 = arith.addf %mul3A_16, %add3A_19 : vector<10000x64xf32>
    %reduce_sum3A = arith.constant dense<0.000000e+00> : vector<64xf32>
    %reduce_sum3A_21 = vector.multi_reduction <add>, %add3A_20, %reduce_sum3A [0] : vector<10000x64xf32> to vector<64xf32>
    %broadcast_in_dim3A_22 = vector.shape_cast %reduce_sum3A_21 : vector<64xf32> to vector<1x64xf32>
    %div3A = arith.constant 1.000000e+04 : f32
    %div3A_23 = vector.broadcast %div3A : f32 to vector<1x64xf32>
    %div3A_24 = arith.divf %broadcast_in_dim3A_22, %div3A_23 : vector<1x64xf32>
    %sub3A = vector.broadcast %div3A_24 : vector<1x64xf32> to vector<10000x64xf32>
    %sub3A_25 = arith.subf %add3A_20, %sub3A : vector<10000x64xf32>
    %integer_pow3A = arith.mulf %sub3A_25, %sub3A_25 : vector<10000x64xf32>
    %reduce_sum3A_26 = arith.constant dense<0.000000e+00> : vector<64xf32>
    %reduce_sum3A_27 = vector.multi_reduction <add>, %integer_pow3A, %reduce_sum3A_26 [0] : vector<10000x64xf32> to vector<64xf32>
    %broadcast_in_dim3A_28 = vector.shape_cast %reduce_sum3A_27 : vector<64xf32> to vector<1x64xf32>
    %div3A_29 = arith.constant 1.000000e+04 : f32
    %div3A_30 = vector.broadcast %div3A_29 : f32 to vector<1x64xf32>
    %div3A_31 = arith.divf %broadcast_in_dim3A_28, %div3A_30 : vector<1x64xf32>
    %sub3A_32 = vector.broadcast %div3A_24 : vector<1x64xf32> to vector<10000x64xf32>
    %sub3A_33 = arith.subf %add3A_20, %sub3A_32 : vector<10000x64xf32>
    %add3A_34 = arith.constant 9.99999974E-6 : f32
    %add3A_35 = vector.broadcast %add3A_34 : f32 to vector<1x64xf32>
    %add3A_36 = arith.addf %div3A_31, %add3A_35 : vector<1x64xf32>
    %sqrt3A = math.sqrt %add3A_36 : vector<1x64xf32>
    %div3A_37 = vector.broadcast %sqrt3A : vector<1x64xf32> to vector<10000x64xf32>
    %div3A_38 = arith.divf %sub3A_33, %div3A_37 : vector<10000x64xf32>
    %get3A_39 = arith.constant 0 : index
    %get3A_40 = vector.load %arg4[%get3A_39] : memref<64xf32, #tpu.memory_space<vmem>>, vector<64xf32>
    %broadcast_in_dim3A_41 = vector.shape_cast %get3A_40 : vector<64xf32> to vector<1x64xf32>
    %mul3A_42 = vector.broadcast %broadcast_in_dim3A_41 : vector<1x64xf32> to vector<10000x64xf32>
    %mul3A_43 = arith.mulf %div3A_38, %mul3A_42 : vector<10000x64xf32>
    %get3A_44 = arith.constant 0 : index
    %get3A_45 = vector.load %arg5[%get3A_44] : memref<64xf32, #tpu.memory_space<vmem>>, vector<64xf32>
    %broadcast_in_dim3A_46 = vector.shape_cast %get3A_45 : vector<64xf32> to vector<1x64xf32>
    %add3A_47 = vector.broadcast %broadcast_in_dim3A_46 : vector<1x64xf32> to vector<10000x64xf32>
    %add3A_48 = arith.addf %mul3A_43, %add3A_47 : vector<10000x64xf32>
    %max3A = arith.constant 0.000000e+00 : f32
    %max3A_49 = vector.broadcast %max3A : f32 to vector<10000x64xf32>
    %max3A_50 = arith.maximumf %add3A_48, %max3A_49 : vector<10000x64xf32>
    %iota3A = tpu.iota {dimensions = array<i32: 0>} : vector<128x10000xi32>
    %get3A_51 = arith.constant 0 : index
    %get3A_52 = arith.constant 0 : index
    %get3A_53 = vector.load %arg6[%get3A_51, %get3A_52] : memref<1x10000xi32, #tpu.memory_space<vmem>>, vector<1x10000xi32>
    %eq3A = vector.broadcast %get3A_53 : vector<1x10000xi32> to vector<128x10000xi32>
    %eq3A_54 = arith.cmpi eq, %eq3A, %iota3A : vector<128x10000xi32>
    %convert_element_type3A = arith.extui %eq3A_54 : vector<128x10000xi1> to vector<128x10000xi32>
    %convert_element_type3A_55 = arith.sitofp %convert_element_type3A : vector<128x10000xi32> to vector<128x10000xf32>
    %dot_general3A = arith.constant dense<0.000000e+00> : vector<128x64xf32>
    %dot_general3A_56 = tpu.matmul %convert_element_type3A_55, %max3A_50, %dot_general3A {dimension_numbers = #tpu.dot_dimension_numbers<[1], [0], [0], [1], [0, 0, 1, 1], [], []>, precision = #tpu.contract_precision<fp32>, transpose_lhs_hint = false} : vector<128x10000xf32>, vector<10000x64xf32>, vector<128x64xf32> -> vector<128x64xf32>
    %reduce_sum3A_57 = arith.constant dense<0.000000e+00> : vector<128xf32>
    %reduce_sum3A_58 = vector.multi_reduction <add>, %convert_element_type3A_55, %reduce_sum3A_57 [1] : vector<128x10000xf32> to vector<128xf32>
    %broadcast_in_dim3A_59 = vector.shape_cast %reduce_sum3A_58 : vector<128xf32> to vector<128x1xf32>
    %max3A_60 = arith.constant 1.000000e+00 : f32
    %max3A_61 = vector.broadcast %max3A_60 : f32 to vector<128x1xf32>
    %max3A_62 = arith.maximumf %broadcast_in_dim3A_59, %max3A_61 : vector<128x1xf32>
    %div3A_63 = vector.broadcast %max3A_62 : vector<128x1xf32> to vector<128x64xf32>
    %div3A_64 = arith.divf %dot_general3A_56, %div3A_63 : vector<128x64xf32>
    %convert_element_type3A_65 = arith.truncf %div3A_64 : vector<128x64xf32> to vector<128x64xbf16>
    %convert_element_type3A_66 = arith.extf %convert_element_type3A_65 : vector<128x64xbf16> to vector<128x64xf32>
    %get3A_67 = arith.constant 0 : index
    %get3A_68 = arith.constant 0 : index
    %get3A_69 = vector.load %arg7[%get3A_67, %get3A_68] : memref<1x64xf32, #tpu.memory_space<vmem>>, vector<1x64xf32>
    %convert_element_type3A_70 = arith.truncf %get3A_69 : vector<1x64xf32> to vector<1x64xbf16>
    %convert_element_type3A_71 = arith.extf %convert_element_type3A_70 : vector<1x64xbf16> to vector<1x64xf32>
    %mul3A_72 = vector.broadcast %convert_element_type3A_71 : vector<1x64xf32> to vector<128x64xf32>
    %mul3A_73 = arith.mulf %convert_element_type3A_66, %mul3A_72 : vector<128x64xf32>
    %reduce_sum3A_74 = arith.constant dense<0.000000e+00> : vector<128xf32>
    %reduce_sum3A_75 = vector.multi_reduction <add>, %mul3A_73, %reduce_sum3A_74 [1] : vector<128x64xf32> to vector<128xf32>
    %broadcast_in_dim3A_76 = vector.shape_cast %reduce_sum3A_75 : vector<128xf32> to vector<128x1xf32>
    %get3A_77 = arith.constant 0 : index
    %get3A_78 = vector.load %arg8[%get3A_77] : memref<1xf32, #tpu.memory_space<vmem>>, vector<1xf32>
    %broadcast_in_dim3A_79 = vector.shape_cast %get3A_78 : vector<1xf32> to vector<1x1xf32>
    %add3A_80 = vector.broadcast %broadcast_in_dim3A_79 : vector<1x1xf32> to vector<128x1xf32>
    %add3A_81 = arith.addf %broadcast_in_dim3A_76, %add3A_80 : vector<128x1xf32>
    %swap3A = arith.constant 0 : index
    %swap3A_82 = arith.constant 0 : index
    %swap3A_83 = vector.load %arg9[%swap3A, %swap3A_82] : memref<128x1xf32, #tpu.memory_space<vmem>>, vector<128x1xf32>
    tpu.vector_store %arg9[%swap3A, %swap3A_82], %add3A_81 {strides = array<i32>} : memref<128x1xf32, #tpu.memory_space<vmem>>, vector<128x1xf32>,
    return
  }
}

</mosaic_0001>

<sc_bundles>
// kernel: kernel.11.cloned.1.call-start
scs
__scs_entry_jumppad:
0x0: {  	(pc) =	sbr.rel $0x88, $3  }
0x1: {  	(tag) =	ssettag $0x0;
	lr =	simm.s32 $0x1  }
0x2: {  	[smem:$0x3F94] =	sst lr;
	_ =	strace $0xD0000000  }
0x3: {  	_ = 	snop  }
0x4: {  	_ = 	snop  }
0x5: {  	_ = 	snop  }
0x6: {  	_ = 	snop  }
0x7: {  	_ = 	snop  }
__scs_overlays_trampoline_lowered:
0x8: {  	[smem:$0x3FA3] =	sst s0  }
0x9: {  	[smem:$0x3FA4] =	sst s1  }
0xa: {  	[smem:$0x3FA5] =	sst s2  }
0xb: {  	[smem:$0x3FA6] =	sst s3  }
0xc: {  	[smem:$0x3FA7] =	sst s4  }
0xd: {  	[smem:$0x3FA8] =	sst s5  }
0xe: {  	[smem:$0x3FA9] =	sst s6  }
0xf: {  	[smem:$0x3FAA] =	sst s7  }
0x10: {  	[smem:$0x3FAB] =	sst s8  }
0x11: {  	[smem:$0x3FAC] =	sst s9;
	s0 =	simm.s32 @!p0 $0x0  }
0x12: {  	s1 =	sld [smem:$0x3F92];
	s0 =	simm.s32 @p0 $0x1  }
0x13: {  	[smem:$0x3FAD] =	sst s0;
	s0 =	simm.s32 @!p1 $0x0  }
0x14: {  	s2 =	sld [smem:$0x3F91];
	s0 =	simm.s32 @p1 $0x1  }
0x15: {  	[smem:$0x3FAE] =	sst s0;
	s0 =	simm.s32 @!p2 $0x0  }
0x16: {  	s3 =	sld [smem:$0x3FDB];
	s0 =	simm.s32 @p2 $0x1  }
0x17: {  	s4 =	simm.s32 $0x1BF5;
	[smem:$0x3FB0] =	sst s0  }
0x18: {  	s0 =	sld [smem:$0x3F93];
	_ =	swait.ge [sflag:s4], $0x0  }
0x19: {  	s7 =	sld [smem:$0x3F94]  }
0x1a: {  	s8 =	sadd.s32 $0xFFFFE003, lr  }
0x1b: {  	s9 =	sadd.s32 $0xFFFFFEF7, lr;
	s5 =	simm.s32 $0xFFFFFFFF;
	p2 =	slt.u32 s8, $0xFFFFF086  }
0x1c: {  	p1 =	slt.u32 s9, $0xF7A;
	s5 =	simm.s32 @!p2 $0x0  }
0x1d: {  	s5 =	simm.s32 @p1 $0x1;
	p0 =	seq.s32 s7, s2  }
0x1e: {  	s7 =	smul.u32 @!p0 $0xF7A, s2;
	p2 =	seq.s32 @!p0 s5, $0x0  }
0x1f: {  	s9 =	smul.u32 $0xF7A, s1;
	s8 =	simm.s32 @!p0 $0x1BF5;
	p2 =	por !p2, p0  }
0x20: {  	[sflag:s8] =	ssyncset.s32 @!p0 $0xFFFFF086;
	s6 =	sadd.s32 @!p0 s3, s7;
	s7 =	simm.s32 @!p0 $0x108  }
0x21: {  	s3 =	sadd.s32 s3, s9;
	s6 =	sadd.s32 @!p0 $0x88, s6;
	s7 =	simm.s32 @p2 $0x1082  }
0x22: {  	[simem:s7], [sflag:s8] =	dma.local @!p0 [hbm:s6], $0xF7A  }
0x23: {  	s9 =	sor.u32 $0xD0000000, s2;
	s6 =	simm.s32 $0x108;
	_ =	swait.ge @!p0 [sflag:s8], $0x0  }
0x24: {  	s3 =	sadd.s32 $0x88, s3;
	s6 =	simm.s32 @!p1 $0x1082;
	[sflag:s4] =	ssyncset.s32 $0xFFFFF086  }
0x25: {  	[simem:s6], [sflag:s4] =	dma.local [hbm:s3], $0xF7A  }
0x26: {  	[smem:$0x3F94] =	sst s1;
	(tag) =	ssettag s2;
	_ =	strace s9  }
0x27: {  	s1 =	sld [smem:$0x3FA4]  }
0x28: {  	s2 =	sld [smem:$0x3FA5]  }
0x29: {  	s4 =	sld [smem:$0x3FA7]  }
0x2a: {  	p0 =	seq.s32 s5, $0x0;
	s5 =	sld [smem:$0x3FA8]  }
0x2b: {  	s6 =	sld [smem:$0x3FA9]  }
0x2c: {  	s7 =	sld [smem:$0x3FAA]  }
0x2d: {  	s3 =	simm.s32 $0x108;
	s8 =	sld [smem:$0x3FAB]  }
0x2e: {  	s3 =	simm.s32 @!p0 $0x1082;
	s9 =	sld [smem:$0x3FAC]  }
0x2f: {  	lr =	sadd.s32 s0, s3;
	s0 =	sld [smem:$0x3FA3]  }
0x30: {  	s3 =	sld [smem:$0x3FA6]  }
0x31: {  	[smem:$0x3FAF] =	sst s10  }
0x32: {  	s10 =	sld [smem:$0x3FAD];
	_ =	sdelay $0x3  }
0x33: {  	p0 =	seq.s32 s10, $0x1;
	s10 =	sld [smem:$0x3FAF];
	_ =	sdelay $0x3  }
0x34: {  	[smem:$0x3FAF] =	sst s10  }
0x35: {  	s10 =	sld [smem:$0x3FAE];
	_ =	sdelay $0x3  }
0x36: {  	p1 =	seq.s32 s10, $0x1;
	s10 =	sld [smem:$0x3FAF];
	_ =	sdelay $0x3  }
0x37: {  	[smem:$0x3FAF] =	sst s10  }
0x38: {  	s10 =	sld [smem:$0x3FB0]  }
0x39: {  	_ = 	snop;
	(pc) =	sbr.ind lr, $3  }
0x3a: {  	_ = 	snop  }
0x3b: {  	_ = 	snop  }
0x3c: {  	p2 =	seq.s32 s10, $0x1;
	s10 =	sld [smem:$0x3FAF]  }
0x3d: {  	_ =	shalt  }
0x3e: {  	_ =	shalt  }
0x3f: {  	_ =	shalt  }
0x40: {  	_ =	shalt  }
0x41: {  	_ =	shalt  }
0x42: {  	_ =	shalt  }
0x43: {  	_ =	shalt  }
0x44: {  	_ =	shalt  }
0x45: {  	_ =	shalt  }
0x46: {  	_ =	shalt  }
0x47: {  	_ =	shalt  }
0x48: {  	_ =	shalt  }
0x49: {  	_ =	shalt  }
0x4a: {  	_ =	shalt  }
0x4b: {  	_ =	shalt  }
0x4c: {  	_ =	shalt  }
0x4d: {  	_ =	shalt  }
0x4e: {  	_ =	shalt  }
0x4f: {  	_ =	shalt  }
0x50: {  	_ =	shalt  }
0x51: {  	_ =	shalt  }
0x52: {  	_ =	shalt  }
0x53: {  	_ =	shalt  }
0x54: {  	_ =	shalt  }
0x55: {  	_ =	shalt  }
0x56: {  	_ =	shalt  }
0x57: {  	_ =	shalt  }
0x58: {  	_ =	shalt  }
0x59: {  	_ =	shalt  }
0x5a: {  	_ =	shalt  }
0x5b: {  	_ =	shalt  }
0x5c: {  	_ =	shalt  }
0x5d: {  	_ =	shalt  }
0x5e: {  	_ =	shalt  }
0x5f: {  	_ =	shalt  }
0x60: {  	_ =	shalt  }
0x61: {  	_ =	shalt  }
0x62: {  	_ =	shalt  }
0x63: {  	_ =	shalt  }
0x64: {  	_ =	shalt  }
0x65: {  	_ =	shalt  }
0x66: {  	_ =	shalt  }
0x67: {  	_ =	shalt  }
0x68: {  	_ =	shalt  }
0x69: {  	_ =	shalt  }
0x6a: {  	_ =	shalt  }
0x6b: {  	_ =	shalt  }
0x6c: {  	_ =	shalt  }
0x6d: {  	_ =	shalt  }
0x6e: {  	_ =	shalt  }
0x6f: {  	_ =	shalt  }
0x70: {  	_ =	shalt  }
0x71: {  	_ =	shalt  }
0x72: {  	_ =	shalt  }
0x73: {  	_ =	shalt  }
0x74: {  	_ =	shalt  }
0x75: {  	_ =	shalt  }
0x76: {  	_ =	shalt  }
0x77: {  	_ =	shalt  }
0x78: {  	_ =	shalt  }
0x79: {  	_ =	shalt  }
0x7a: {  	_ =	shalt  }
0x7b: {  	_ =	shalt  }
0x7c: {  	_ =	shalt  }
0x7d: {  	_ =	shalt  }
0x7e: {  	_ =	shalt  }
0x7f: {  	_ =	shalt  }
0x80: {  	_ =	shalt  }
0x81: {  	_ =	shalt  }
0x82: {  	_ =	shalt  }
0x83: {  	_ =	shalt  }
0x84: {  	_ =	shalt  }
0x85: {  	_ =	shalt  }
0x86: {  	_ =	shalt  }
0x87: {  	_ =	shalt  }
.Lfunc_end0:
.L_simem_size_0:
called_computation.1_lowered:
.L_overlay_start_0:
0x88: {  	s2 =	sld [smem:$0x3FD9]  }
0x89: {  	s3 =	sld [smem:$0x3FFE];
	_ =	sdelay $0x1  }
0x8a: {  	s1 =	srdreg.scid  }
0x8b: {  	s0 =	sand.u32 $0x1, s1  }
0x8c: {  	s16 =	sshll.u32 s0, $0xA;
	s2 =	sadd.s32 s3, s2  }
0x8d: {  	s2 =	sadd.s32 s2, s16  }
0x8e: {  	[smem:$0x3FBB] =	sst s2  }
0x8f: {  	_ = 	snop  }
0x90: {  	(tm) =	ssettm $0x1  }
0x91: {  	s17 =	sld [smem:$0x3FFB];
	_ =	sdelay $0x3  }
0x92: {  	_ =	strace s17  }
0x93: {  	s2 =	sld [smem:$0x3FFC];
	_ =	sdelay $0x3  }
0x94: {  	_ =	strace s2  }
0x95: {  	s2 =	sld [smem:$0x3FFD];
	_ =	sdelay $0x3  }
0x96: {  	_ =	strace s2  }
0x97: {  	_ =	strace $0x8FFFFFFF  }
0x98: {  	s18 =	sld [smem:$0x3FDB];
	_ =	sdelay $0x1  }
0x99: {  	s19 =	simm.s32 $_scs_section_size  }
0x9a: {  	s4 =	simm.s32 $_size__tile_overlayer_lowered;
	s5 =	simm.s32 $_tile_overlayer_lowered  }
0x9b: {  	s22 =	simm.s32 $0x1BFF;
	s21 =	sshll.u32 s5, $0x1;
	s2 =	sadd.s32 s19, s18  }
0x9c: {  	s6 =	simm.s32 $0x0;
	s20 =	sshll.u32 s4, $0x1;
	s4 =	sadd.s32 s21, s2  }
0x9d: {  	[timem:s6], [sflag:s22] =	dma.local [hbm:s4], s20  }
0x9e: {  	_ =	swait.ge [sflag:s22], s20  }
0x9f: {  	s3 =	ssub.s32 $0x0, s20;
	[sflag:s22] =	ssyncset.done $0x0  }
0xa0: {  	[sflag:s22] =	ssyncadd.s32 s3;
	_ =	sdelay $0x1  }
0xa1: {  	s23 =	simm.s32 $0x1B8B  }
0xa2: {  	_ =	swait.ge [sflag:s23], $0x1  }
0xa3: {  	[sflag:s23] =	ssyncset.done $0x0  }
0xa4: {  	s25 =	simm.s32 $0x1B8E;
	s24 =	sld [smem:$0x3FFE];
	[sflag:s23] =	ssyncadd.s32 $0xFFFFFFFF  }
0xa5: {  	s26 =	simm.s32 $execute0_lowered;
	[smem:$0x3FD2] =	sst s25  }
0xa6: {  	s4 =	sshll.u32 s26, $0x1;
	_ =	strace $0x80000049;
	[dreg:$0x1] =	wrdreg $0xFFFFFFFF  }
0xa7: {  	s28 =	simm.s32 $_size_execute0_lowered;
	s2 =	sadd.s32 s2, s4;
	[dreg:$0x0] =	wrdreg $0x0  }
0xa8: {  	s4 =	sshll.u32 s28, $0x1;
	[dreg:$0x2] =	wrdreg s2  }
0xa9: {  	[dreg:$0x3] =	wrdreg s4  }
0xaa: {  	[dreg:$0x4] =	wrdreg $0xC0  }
0xab: {  	_ =	task [dreg:s6], $0x5FFFF  }
0xac: {  	[dreg:$0x1] =	wrdreg $0xFFFFFFFF  }
0xad: {  	[dreg:$0x0] =	wrdreg $0x60  }
0xae: {  	[dreg:$0x2] =	wrdreg s24  }
0xaf: {  	[dreg:$0x3] =	wrdreg $0x76200  }
0xb0: {  	[dreg:$0x4] =	wrdreg $0x9  }
0xb1: {  	_ =	task.clear_ibuf [dreg:s6], $0x5FFFF;
	_ =	strace $0x90000049  }
0xb2: {  	s29 =	simm.s32 $0x9;
	_ =	strace $0x8000004B  }
0xb3: {  	_ =	swait.ge [sflag:s29], $0x1  }
0xb4: {  	[sflag:s29] =	ssyncadd.s32 $0xFFFFFFFF  }
0xb5: {  	_ =	strace $0x9000004B  }
0xb6: {  	_ =	sfence  }
0xb7: {  	s30 =	sld [smem:$0x0];
	_ =	sdelay $0x2  }
0xb8: {  	s31 =	sshll.u32 s1, $0xD;
	s1 =	sshrl.u32 s1, $0x2  }
0xb9: {  	s3 =	sand.u32 $0x4000, s31;
	s1 =	sadd.s32 s1, s30  }
0xba: {  	s0 =	sor.u32 s3, s0;
	s1 =	sshll.u32 s1, $0x11  }
0xbb: {  	s0 =	sor.u32 s1, s0  }
0xbc: {  	s0 =	sadd.s32 $0x8F2B, s0  }
0xbd: {  	[sflag:s0] =	ssyncadd.remote.s32 $0x1  }
0xbe: {  	_ =	sfence.sel $0xFFFF  }
0xbf: {  	[dreg:$0x0] =	wrdreg $0xFFFFFFFF;
	(pc) =	sbr.abs _section_cstart, $3  }
0xc0: {  	[dreg:$0x1] =	wrdreg $0xFFFFFFFF  }
0xc1: {  	_ =	task.clear_ibuf [dreg:s6], $0x2FFFF;
	_ =	strace $0x9FFFFFFF  }
0xc2: {  	(tm) =	ssettm $0x7FFFFFFF  }
0xc3: {  	_ =	shalt  }
tec
execute0_lowered:
.L_overlay_start_1:
0x0: {  	(tag) =	ssettag $0x1  }
0x1: {  	s0 =	srdreg.scid;
	s6 =	rddreg [dreg:$0x0]  }
0x2: {  	s2 =	rddreg [dreg:$0x1];
	s3 =	simm.s32 $0x0;
	s14 =	simm.s32 $0x50  }
0x3: {  	s15 =	simm.s32 $0x4E20;
	s16 =	simm.s32 $0x6220;
	s17 =	simm.s32 $0x1  }
0x4: {  	s18 =	simm.s32 $0x2;
	s19 =	simm.s32 $0x4D30;
	s20 =	simm.s32 $0x26C0  }
0x5: {  	s21 =	simm.s32 $0x4D80;
	s22 =	simm.s32 $0x4DD0;
	s23 =	simm.s32 $0x0  }
0x6: {  	s5 =	sand.u32 $0x1, s0;
	s0 =	stileid.u32;
	[smem:$0x7FF] =	sst s3  }
0x7: {  	s4 =	sadd.s32 $0x15E00, s6;
	s1 =	sshll.u32 s5, $0x4;
	s8 =	smul.u32 $0xA000, s0  }
0x8: {  	s9 =	smul.u32 $0xA0000, s5;
	s29 =	ssub.s32 $0x2, s5;
	s5 =	sadd.s32 $0x29800, s6  }
0x9: {  	s31 =	sshll.u32 s0, $0x6;
	s1 =	sor.u32 s0, s1;
	s30 =	sshrl.u32 s29, $0x1  }
0xa: {  	s7 =	smul.u32 $0x2710, s1;
	s1 =	rddreg [dreg:$0x2];
	s9 =	sadd.s32 s8, s9  }
0xb: {  	_ =	strace $0x8000004A;
	s12 =	ssub.s32 s29, s30;
	s28 =	sshrl.u32 s9, $0x3  }
0xc: {  	s13 =	sadd.s32 s8, s2;
	s7 =	sshrl.u32 s7, $0x3;
	s11 =	sadd.s32 s28, s6  }
0xd: {  	s10 =	sadd.s32 s7, s6;
	s6 =	sor.u32 $0x1C03, s31;
	s9 =	sadd.s32 $0x2AC00, s11  }
0xe: {  	s11 =	sshrl.u32 s13, $0x3;
	s13 =	simm.s32 $0x2710;
	s7 =	sadd.s32 $0x2400, s10  }
0xf: {  	s8 =	sadd.s32 $0xC040, s10;
	s10 =	smax.u32 s12, $0x1;
	s12 =	simm.s32 $0x3  }
.LBB2_1:
0x10: {  	[spmem:s11], [sflag:s6] =	dma.local [hbm:s5], $0x1400  }
0x11: {  	_ =	swait.ge [sflag:s12], $0x1400  }
0x12: {  	[sflag:s12] =	ssyncset.done $0x0  }
0x13: {  	[sflag:s12] =	ssyncadd.s32 $0xFFFFEC00  }
0x14: {  	[tilespmem:s3], [sflag:$0x3] =	stream.linear.gather [hbm4b:s7+s3], $0x2710, $0x38;
	[tilespmem:$0x11620] =	vst v63  }
0x15: {  	_ =	swait.ge [sflag:s12], $0x2710  }
0x16: {  	[sflag:s12] =	ssyncset.done $0x0  }
0x17: {  	[sflag:s12] =	ssyncadd.s32 $0xFFFFD8F0  }
0x18: {  	[tilespmem:s13], [sflag:$0x3] =	stream.linear.gather [hbm4b:s8+s3], $0x2710, $0x38;
	[tilespmem:$0x11620] =	vst v63  }
0x19: {  	_ =	swait.ge [sflag:s12], $0x2710  }
0x1a: {  	[sflag:s12] =	ssyncset.done $0x0  }
0x1b: {  	[sflag:s12] =	ssyncadd.s32 $0xFFFFD8F0  }
0x1c: {  	[bflag:$0x0] =	sbarrier.arrive $0xFFFF  }
0x1d: {  	[tilespmem:s15], [sflag:$0x1] =	stream.indirect.gather [hbm4b:s4+s14], $0x40, s3, s14, $0xb8;
	[tilespmem:$0x11620] =	vst v63  }
0x1e: {  	_ = 	snop  }
0x1f: {  	[tilespmem:s16], [sflag:$0x2] =	stream.indirect.gather [hbm4b:s4+s14], $0x40, s14, s14, $0xb8;
	[tilespmem:$0x11620] =	vst v63  }
0x20: {  	_ =	swait.ge [sflag:s17], $0x1400  }
0x21: {  	[sflag:s17] =	ssyncset.done $0x0  }
0x22: {  	s24 =	simm.s32 $0x2710;
	[sflag:s17] =	ssyncadd.s32 $0xFFFFEC00  }
0x23: {  	[spmem:s2] =	stream.indirect.scatter.add.f32 [tilespmem:s15], [sflag:$0x3], $0x40, s24, s14, $0xb8;
	[tilespmem:$0x11620] =	vst v63  }
0x24: {  	_ =	swait.ge [sflag:s12], $0x1400  }
0x25: {  	[sflag:s12] =	ssyncset.done $0x0  }
0x26: {  	s30 =	simm.s32 $0xA0;
	[sflag:s12] =	ssyncadd.s32 $0xFFFFEC00  }
0x27: {  	[tilespmem:s15], [sflag:$0x1] =	stream.indirect.gather [hbm4b:s4+s14], $0x40, s30, s14, $0xb8;
	[tilespmem:$0x11620] =	vst v63  }
0x28: {  	_ =	swait.ge [sflag:s18], $0x1400  }
0x29: {  	[sflag:s18] =	ssyncset.done $0x0  }
0x2a: {  	s31 =	simm.s32 $0x2760;
	[sflag:s18] =	ssyncadd.s32 $0xFFFFEC00  }
0x2b: {  	[spmem:s2] =	stream.indirect.scatter.add.f32 [tilespmem:s16], [sflag:$0x3], $0x40, s31, s14, $0xb8;
	[tilespmem:$0x11620] =	vst v63  }
0x2c: {  	_ =	swait.ge [sflag:s12], $0x1400  }
0x2d: {  	[sflag:s12] =	ssyncset.done $0x0  }
0x2e: {  	s25 =	simm.s32 $0xF0;
	s24 =	simm.s32 $0x280;
	[sflag:s12] =	ssyncadd.s32 $0xFFFFEC00  }
.LBB2_2:
0x2f: {  	[tilespmem:s16], [sflag:$0x2] =	stream.indirect.gather [hbm4b:s4+s14], $0x40, s25, s14, $0xb8;
	[tilespmem:$0x11620] =	vst v63  }
0x30: {  	s25 =	smov.u32 s24  }
0x31: {  	p0 =	sne.s32 s24, $0x9600;
	s24 =	sadd.s32 $0x280, s24;
	_ =	swait.ge [sflag:s17], $0x1400  }
0x32: {  	s25 =	sshra.s32 s25, $0x2;
	[sflag:s17] =	ssyncset.done $0x0  }
0x33: {  	s26 =	sadd.s32 $0x2710, s25;
	[sflag:s17] =	ssyncadd.s32 $0xFFFFEC00  }
0x34: {  	[spmem:s2] =	stream.indirect.scatter.add.f32 [tilespmem:s15], [sflag:$0x3], $0x40, s26, s14, $0xb8;
	[tilespmem:$0x11620] =	vst v63  }
0x35: {  	_ =	swait.ge [sflag:s12], $0x1400  }
0x36: {  	[sflag:s12] =	ssyncset.done $0x0  }
0x37: {  	s26 =	sadd.s32 $0xA0, s25;
	[sflag:s12] =	ssyncadd.s32 $0xFFFFEC00  }
0x38: {  	[tilespmem:s15], [sflag:$0x1] =	stream.indirect.gather [hbm4b:s4+s14], $0x40, s26, s14, $0xb8;
	[tilespmem:$0x11620] =	vst v63  }
0x39: {  	_ =	swait.ge [sflag:s18], $0x1400  }
0x3a: {  	[sflag:s18] =	ssyncset.done $0x0  }
.Ltmp0:
0x3b: {  	s26 =	sadd.s32 $0x2760, s25;
	[sflag:s18] =	ssyncadd.s32 $0xFFFFEC00;
	(pc) =	sbr.rel @p0 .LBB2_2-.Ltmp0, $4  }
0x3c: {  	[spmem:s2] =	stream.indirect.scatter.add.f32 [tilespmem:s16], [sflag:$0x3], $0x40, s26, s14, $0xb8;
	[tilespmem:$0x11620] =	vst v63  }
0x3d: {  	_ =	swait.ge [sflag:s12], $0x1400  }
0x3e: {  	[sflag:s12] =	ssyncset.done $0x0  }
0x3f: {  	s25 =	sadd.s32 $0xF0, s25;
	[sflag:s12] =	ssyncadd.s32 $0xFFFFEC00  }
0x40: {  	[tilespmem:s16], [sflag:$0x2] =	stream.indirect.gather [hbm4b:s4+s14], $0x40, s25, s14, $0xb8;
	[tilespmem:$0x11620] =	vst v63  }
0x41: {  	_ =	swait.ge [sflag:s17], $0x1400  }
0x42: {  	[sflag:s17] =	ssyncset.done $0x0  }
0x43: {  	[sflag:s17] =	ssyncadd.s32 $0xFFFFEC00  }
0x44: {  	[spmem:s2] =	stream.indirect.scatter.add.f32 [tilespmem:s15], [sflag:$0x3], $0x40, s19, s14, $0xb8;
	[tilespmem:$0x11620] =	vst v63  }
0x45: {  	_ =	swait.ge [sflag:s12], $0x1400  }
0x46: {  	[sflag:s12] =	ssyncset.done $0x0  }
0x47: {  	[sflag:s12] =	ssyncadd.s32 $0xFFFFEC00  }
0x48: {  	[tilespmem:s15], [sflag:$0x1] =	stream.indirect.gather [hbm4b:s4+s14], $0x40, s20, s14, $0xb8;
	[tilespmem:$0x11620] =	vst v63  }
0x49: {  	_ =	swait.ge [sflag:s18], $0x1400  }
0x4a: {  	[sflag:s18] =	ssyncset.done $0x0  }
0x4b: {  	[sflag:s18] =	ssyncadd.s32 $0xFFFFEC00  }
0x4c: {  	[spmem:s2] =	stream.indirect.scatter.add.f32 [tilespmem:s16], [sflag:$0x3], $0x40, s21, s14, $0xb8;
	[tilespmem:$0x11620] =	vst v63  }
0x4d: {  	_ =	swait.ge [sflag:s12], $0x1400  }
0x4e: {  	[sflag:s12] =	ssyncset.done $0x0  }
0x4f: {  	[sflag:s12] =	ssyncadd.s32 $0xFFFFEC00  }
0x50: {  	[tilespmem:s16], [sflag:$0x2] =	stream.indirect.gather [hbm4b:s4+s14], $0x40, s20, s14, $0xb8;
	[tilespmem:$0x11620] =	vst v63  }
0x51: {  	_ =	swait.ge [sflag:s17], $0x1400  }
0x52: {  	[sflag:s17] =	ssyncset.done $0x0  }
0x53: {  	[sflag:s17] =	ssyncadd.s32 $0xFFFFEC00  }
0x54: {  	[spmem:s2] =	stream.indirect.scatter.add.f32 [tilespmem:s15], [sflag:$0x3], $0x40, s22, s14, $0xb8;
	[tilespmem:$0x11620] =	vst v63  }
0x55: {  	_ =	swait.ge [sflag:s12], $0x1400  }
0x56: {  	[sflag:s12] =	ssyncset.done $0x0  }
0x57: {  	[sflag:s12] =	ssyncadd.s32 $0xFFFFEC00  }
0x58: {  	_ =	swait.ge [sflag:s18], $0x1400  }
0x59: {  	s23 =	sadd.s32 $0x1, s23;
	[sflag:s18] =	ssyncset.done $0x0  }
0x5a: {  	p0 =	sne.s32 s23, s10;
	[sflag:s18] =	ssyncadd.s32 $0xFFFFEC00  }
.Ltmp1:
0x5b: {  	[bflag:$0x0] =	sbarrier.arrive $0xFFFF;
	(pc) =	sbr.rel @p0 .LBB2_1-.Ltmp1, $4  }
0x5c: {  	[hbm:s9], [sflag:s6] =	dma.local [spmem:s11], $0x1400  }
0x5d: {  	_ =	swait.ge [sflag:s12], $0x1400  }
0x5e: {  	[sflag:s12] =	ssyncset.done $0x0  }
0x5f: {  	[sflag:s12] =	ssyncadd.s32 $0xFFFFEC00  }
0x60: {  	_ =	sfence.sel $0x180000  }
0x61: {  	[bflag:$0x0] =	sbarrier.arrive $0xFFFF  }
0x62: {  	p0 =	sne.s32 s0, $0x0;
	_ =	strace $0x9000004A  }
0x63: {  	s0 =	sadd.s32 @!p0 $0x100000, s1;
	[bflag:$0x2] =	sbarrier.arrive $0xFFFF  }
0x64: {  	[sflag:s0] =	ssyncadd.tile.s32 @!p0 $0x1;
	_ =	shalt  }
.Lfunc_end2:
_tile_overlayer_lowered:
.L_overlay_start_2:
0x65: {  	(tag) =	ssettag $0x2  }
0x66: {  	s0 =	rddreg [dreg:$0x0];
	s2 =	stileid.u32  }
0x67: {  	s1 =	rddreg [dreg:$0x1];
	p0 =	sne.s32 s2, $0x0  }
0x68: {  	s3 =	rddreg [dreg:$0x2];
	[bflag:$0x3] =	sbarrier.arrive $0xFFFF;
	s2 =	simm.s32 @!p0 $0x1C03  }
0x69: {  	[timem:s3], [sflag:s2] =	dma.local @!p0 [hbm:s0], s1  }
0x6a: {  	s0 =	simm.s32 @!p0 $0x3  }
0x6b: {  	_ =	swait.ge @!p0 [sflag:s0], s1  }
0x6c: {  	s1 =	ssub.s32 @!p0 $0x0, s1;
	[sflag:s0] =	ssyncset.done @!p0 $0x0  }
0x6d: {  	[sflag:s0] =	ssyncadd.s32 @!p0 s1  }
0x6e: {  	[bflag:$0x3] =	sbarrier.arrive $0xFFFF  }
0x6f: {  	_ =	shalt  }

// kernel: kernel.14.cloned.1.call-start
scs
__scs_entry_jumppad:
0x0: {  	(pc) =	sbr.rel $0x88, $3  }
0x1: {  	(tag) =	ssettag $0x0;
	lr =	simm.s32 $0x1  }
0x2: {  	[smem:$0x3F94] =	sst lr;
	_ =	strace $0xD0000000  }
0x3: {  	_ = 	snop  }
0x4: {  	_ = 	snop  }
0x5: {  	_ = 	snop  }
0x6: {  	_ = 	snop  }
0x7: {  	_ = 	snop  }
__scs_overlays_trampoline_lowered:
0x8: {  	[smem:$0x3FA3] =	sst s0  }
0x9: {  	[smem:$0x3FA4] =	sst s1  }
0xa: {  	[smem:$0x3FA5] =	sst s2  }
0xb: {  	[smem:$0x3FA6] =	sst s3  }
0xc: {  	[smem:$0x3FA7] =	sst s4  }
0xd: {  	[smem:$0x3FA8] =	sst s5  }
0xe: {  	[smem:$0x3FA9] =	sst s6  }
0xf: {  	[smem:$0x3FAA] =	sst s7  }
0x10: {  	[smem:$0x3FAB] =	sst s8  }
0x11: {  	[smem:$0x3FAC] =	sst s9;
	s0 =	simm.s32 @!p0 $0x0  }
0x12: {  	s1 =	sld [smem:$0x3F92];
	s0 =	simm.s32 @p0 $0x1  }
0x13: {  	[smem:$0x3FAD] =	sst s0;
	s0 =	simm.s32 @!p1 $0x0  }
0x14: {  	s2 =	sld [smem:$0x3F91];
	s0 =	simm.s32 @p1 $0x1  }
0x15: {  	[smem:$0x3FAE] =	sst s0;
	s0 =	simm.s32 @!p2 $0x0  }
0x16: {  	s3 =	sld [smem:$0x3FDB];
	s0 =	simm.s32 @p2 $0x1  }
0x17: {  	s4 =	simm.s32 $0x1BF5;
	[smem:$0x3FB0] =	sst s0  }
0x18: {  	s0 =	sld [smem:$0x3F93];
	_ =	swait.ge [sflag:s4], $0x0  }
0x19: {  	s7 =	sld [smem:$0x3F94]  }
0x1a: {  	s8 =	sadd.s32 $0xFFFFE003, lr  }
0x1b: {  	s9 =	sadd.s32 $0xFFFFFEF7, lr;
	s5 =	simm.s32 $0xFFFFFFFF;
	p2 =	slt.u32 s8, $0xFFFFF086  }
0x1c: {  	p1 =	slt.u32 s9, $0xF7A;
	s5 =	simm.s32 @!p2 $0x0  }
0x1d: {  	s5 =	simm.s32 @p1 $0x1;
	p0 =	seq.s32 s7, s2  }
0x1e: {  	s7 =	smul.u32 @!p0 $0xF7A, s2;
	p2 =	seq.s32 @!p0 s5, $0x0  }
0x1f: {  	s9 =	smul.u32 $0xF7A, s1;
	s8 =	simm.s32 @!p0 $0x1BF5;
	p2 =	por !p2, p0  }
0x20: {  	[sflag:s8] =	ssyncset.s32 @!p0 $0xFFFFF086;
	s6 =	sadd.s32 @!p0 s3, s7;
	s7 =	simm.s32 @!p0 $0x108  }
0x21: {  	s3 =	sadd.s32 s3, s9;
	s6 =	sadd.s32 @!p0 $0x88, s6;
	s7 =	simm.s32 @p2 $0x1082  }
0x22: {  	[simem:s7], [sflag:s8] =	dma.local @!p0 [hbm:s6], $0xF7A  }
0x23: {  	s9 =	sor.u32 $0xD0000000, s2;
	s6 =	simm.s32 $0x108;
	_ =	swait.ge @!p0 [sflag:s8], $0x0  }
0x24: {  	s3 =	sadd.s32 $0x88, s3;
	s6 =	simm.s32 @!p1 $0x1082;
	[sflag:s4] =	ssyncset.s32 $0xFFFFF086  }
0x25: {  	[simem:s6], [sflag:s4] =	dma.local [hbm:s3], $0xF7A  }
0x26: {  	[smem:$0x3F94] =	sst s1;
	(tag) =	ssettag s2;
	_ =	strace s9  }
0x27: {  	s1 =	sld [smem:$0x3FA4]  }
0x28: {  	s2 =	sld [smem:$0x3FA5]  }
0x29: {  	s4 =	sld [smem:$0x3FA7]  }
0x2a: {  	p0 =	seq.s32 s5, $0x0;
	s5 =	sld [smem:$0x3FA8]  }
0x2b: {  	s6 =	sld [smem:$0x3FA9]  }
0x2c: {  	s7 =	sld [smem:$0x3FAA]  }
0x2d: {  	s3 =	simm.s32 $0x108;
	s8 =	sld [smem:$0x3FAB]  }
0x2e: {  	s3 =	simm.s32 @!p0 $0x1082;
	s9 =	sld [smem:$0x3FAC]  }
0x2f: {  	lr =	sadd.s32 s0, s3;
	s0 =	sld [smem:$0x3FA3]  }
0x30: {  	s3 =	sld [smem:$0x3FA6]  }
0x31: {  	[smem:$0x3FAF] =	sst s10  }
0x32: {  	s10 =	sld [smem:$0x3FAD];
	_ =	sdelay $0x3  }
0x33: {  	p0 =	seq.s32 s10, $0x1;
	s10 =	sld [smem:$0x3FAF];
	_ =	sdelay $0x3  }
0x34: {  	[smem:$0x3FAF] =	sst s10  }
0x35: {  	s10 =	sld [smem:$0x3FAE];
	_ =	sdelay $0x3  }
0x36: {  	p1 =	seq.s32 s10, $0x1;
	s10 =	sld [smem:$0x3FAF];
	_ =	sdelay $0x3  }
0x37: {  	[smem:$0x3FAF] =	sst s10  }
0x38: {  	s10 =	sld [smem:$0x3FB0]  }
0x39: {  	_ = 	snop;
	(pc) =	sbr.ind lr, $3  }
0x3a: {  	_ = 	snop  }
0x3b: {  	_ = 	snop  }
0x3c: {  	p2 =	seq.s32 s10, $0x1;
	s10 =	sld [smem:$0x3FAF]  }
0x3d: {  	_ =	shalt  }
0x3e: {  	_ =	shalt  }
0x3f: {  	_ =	shalt  }
0x40: {  	_ =	shalt  }
0x41: {  	_ =	shalt  }
0x42: {  	_ =	shalt  }
0x43: {  	_ =	shalt  }
0x44: {  	_ =	shalt  }
0x45: {  	_ =	shalt  }
0x46: {  	_ =	shalt  }
0x47: {  	_ =	shalt  }
0x48: {  	_ =	shalt  }
0x49: {  	_ =	shalt  }
0x4a: {  	_ =	shalt  }
0x4b: {  	_ =	shalt  }
0x4c: {  	_ =	shalt  }
0x4d: {  	_ =	shalt  }
0x4e: {  	_ =	shalt  }
0x4f: {  	_ =	shalt  }
0x50: {  	_ =	shalt  }
0x51: {  	_ =	shalt  }
0x52: {  	_ =	shalt  }
0x53: {  	_ =	shalt  }
0x54: {  	_ =	shalt  }
0x55: {  	_ =	shalt  }
0x56: {  	_ =	shalt  }
0x57: {  	_ =	shalt  }
0x58: {  	_ =	shalt  }
0x59: {  	_ =	shalt  }
0x5a: {  	_ =	shalt  }
0x5b: {  	_ =	shalt  }
0x5c: {  	_ =	shalt  }
0x5d: {  	_ =	shalt  }
0x5e: {  	_ =	shalt  }
0x5f: {  	_ =	shalt  }
0x60: {  	_ =	shalt  }
0x61: {  	_ =	shalt  }
0x62: {  	_ =	shalt  }
0x63: {  	_ =	shalt  }
0x64: {  	_ =	shalt  }
0x65: {  	_ =	shalt  }
0x66: {  	_ =	shalt  }
0x67: {  	_ =	shalt  }
0x68: {  	_ =	shalt  }
0x69: {  	_ =	shalt  }
0x6a: {  	_ =	shalt  }
0x6b: {  	_ =	shalt  }
0x6c: {  	_ =	shalt  }
0x6d: {  	_ =	shalt  }
0x6e: {  	_ =	shalt  }
0x6f: {  	_ =	shalt  }
0x70: {  	_ =	shalt  }
0x71: {  	_ =	shalt  }
0x72: {  	_ =	shalt  }
0x73: {  	_ =	shalt  }
0x74: {  	_ =	shalt  }
0x75: {  	_ =	shalt  }
0x76: {  	_ =	shalt  }
0x77: {  	_ =	shalt  }
0x78: {  	_ =	shalt  }
0x79: {  	_ =	shalt  }
0x7a: {  	_ =	shalt  }
0x7b: {  	_ =	shalt  }
0x7c: {  	_ =	shalt  }
0x7d: {  	_ =	shalt  }
0x7e: {  	_ =	shalt  }
0x7f: {  	_ =	shalt  }
0x80: {  	_ =	shalt  }
0x81: {  	_ =	shalt  }
0x82: {  	_ =	shalt  }
0x83: {  	_ =	shalt  }
0x84: {  	_ =	shalt  }
0x85: {  	_ =	shalt  }
0x86: {  	_ =	shalt  }
0x87: {  	_ =	shalt  }
.Lfunc_end0:
.L_simem_size_0:
called_computation.2_lowered:
.L_overlay_start_0:
0x88: {  	s2 =	sld [smem:$0x3FD9]  }
0x89: {  	s3 =	sld [smem:$0x3FFE];
	_ =	sdelay $0x1  }
0x8a: {  	s1 =	srdreg.scid  }
0x8b: {  	s0 =	sand.u32 $0x1, s1  }
0x8c: {  	s16 =	sshll.u32 s0, $0xA;
	s2 =	sadd.s32 s3, s2  }
0x8d: {  	s2 =	sadd.s32 s2, s16  }
0x8e: {  	[smem:$0x3FBB] =	sst s2  }
0x8f: {  	_ = 	snop  }
0x90: {  	(tm) =	ssettm $0x1  }
0x91: {  	s17 =	sld [smem:$0x3FFB];
	_ =	sdelay $0x3  }
0x92: {  	_ =	strace s17  }
0x93: {  	s2 =	sld [smem:$0x3FFC];
	_ =	sdelay $0x3  }
0x94: {  	_ =	strace s2  }
0x95: {  	s2 =	sld [smem:$0x3FFD];
	_ =	sdelay $0x3  }
0x96: {  	_ =	strace s2  }
0x97: {  	_ =	strace $0x8FFFFFFF  }
0x98: {  	s18 =	sld [smem:$0x3FDB];
	_ =	sdelay $0x1  }
0x99: {  	s19 =	simm.s32 $_scs_section_size  }
0x9a: {  	s4 =	simm.s32 $_size__tile_overlayer_lowered;
	s5 =	simm.s32 $_tile_overlayer_lowered  }
0x9b: {  	s22 =	simm.s32 $0x1BFF;
	s21 =	sshll.u32 s5, $0x1;
	s2 =	sadd.s32 s19, s18  }
0x9c: {  	s6 =	simm.s32 $0x0;
	s20 =	sshll.u32 s4, $0x1;
	s4 =	sadd.s32 s21, s2  }
0x9d: {  	[timem:s6], [sflag:s22] =	dma.local [hbm:s4], s20  }
0x9e: {  	_ =	swait.ge [sflag:s22], s20  }
0x9f: {  	s3 =	ssub.s32 $0x0, s20;
	[sflag:s22] =	ssyncset.done $0x0  }
0xa0: {  	[sflag:s22] =	ssyncadd.s32 s3;
	_ =	sdelay $0x1  }
0xa1: {  	s23 =	simm.s32 $0x1B8B  }
0xa2: {  	_ =	swait.ge [sflag:s23], $0x1  }
0xa3: {  	[sflag:s23] =	ssyncset.done $0x0  }
0xa4: {  	s25 =	simm.s32 $0x1B8E;
	s24 =	sld [smem:$0x3FFE];
	[sflag:s23] =	ssyncadd.s32 $0xFFFFFFFF  }
0xa5: {  	s26 =	simm.s32 $execute0_lowered;
	[smem:$0x3FD2] =	sst s25  }
0xa6: {  	s4 =	sshll.u32 s26, $0x1;
	_ =	strace $0x8000004C;
	[dreg:$0x1] =	wrdreg $0xFFFFFFFF  }
0xa7: {  	s28 =	simm.s32 $_size_execute0_lowered;
	s2 =	sadd.s32 s2, s4;
	[dreg:$0x0] =	wrdreg $0x0  }
0xa8: {  	s4 =	sshll.u32 s28, $0x1;
	[dreg:$0x2] =	wrdreg s2  }
0xa9: {  	[dreg:$0x3] =	wrdreg s4  }
0xaa: {  	[dreg:$0x4] =	wrdreg $0xC0  }
0xab: {  	_ =	task [dreg:s6], $0x5FFFF  }
0xac: {  	[dreg:$0x1] =	wrdreg $0xFFFFFFFF  }
0xad: {  	[dreg:$0x0] =	wrdreg $0x60  }
0xae: {  	[dreg:$0x2] =	wrdreg s24  }
0xaf: {  	[dreg:$0x3] =	wrdreg $0x76200  }
0xb0: {  	[dreg:$0x4] =	wrdreg $0x9  }
0xb1: {  	_ =	task.clear_ibuf [dreg:s6], $0x5FFFF;
	_ =	strace $0x9000004C  }
0xb2: {  	s29 =	simm.s32 $0x9;
	_ =	strace $0x8000004E  }
0xb3: {  	_ =	swait.ge [sflag:s29], $0x1  }
0xb4: {  	[sflag:s29] =	ssyncadd.s32 $0xFFFFFFFF  }
0xb5: {  	_ =	strace $0x9000004E  }
0xb6: {  	_ =	sfence  }
0xb7: {  	s30 =	sld [smem:$0x0];
	_ =	sdelay $0x2  }
0xb8: {  	s31 =	sshll.u32 s1, $0xD;
	s1 =	sshrl.u32 s1, $0x2  }
0xb9: {  	s3 =	sand.u32 $0x4000, s31;
	s1 =	sadd.s32 s1, s30  }
0xba: {  	s0 =	sor.u32 s3, s0;
	s1 =	sshll.u32 s1, $0x11  }
0xbb: {  	s0 =	sor.u32 s1, s0  }
0xbc: {  	s0 =	sadd.s32 $0x8F2B, s0  }
0xbd: {  	[sflag:s0] =	ssyncadd.remote.s32 $0x1  }
0xbe: {  	_ =	sfence.sel $0xFFFF  }
0xbf: {  	[dreg:$0x0] =	wrdreg $0xFFFFFFFF;
	(pc) =	sbr.abs _section_cstart, $3  }
0xc0: {  	[dreg:$0x1] =	wrdreg $0xFFFFFFFF  }
0xc1: {  	_ =	task.clear_ibuf [dreg:s6], $0x2FFFF;
	_ =	strace $0x9FFFFFFF  }
0xc2: {  	(tm) =	ssettm $0x7FFFFFFF  }
0xc3: {  	_ =	shalt  }
tec
execute0_lowered:
.L_overlay_start_1:
0x0: {  	(tag) =	ssettag $0x1  }
0x1: {  	s0 =	srdreg.scid;
	s6 =	rddreg [dreg:$0x0]  }
0x2: {  	s2 =	rddreg [dreg:$0x1];
	s3 =	simm.s32 $0x0;
	s14 =	simm.s32 $0x50  }
0x3: {  	s15 =	simm.s32 $0x4E20;
	s16 =	simm.s32 $0x6220;
	s17 =	simm.s32 $0x1  }
0x4: {  	s18 =	simm.s32 $0x2;
	s19 =	simm.s32 $0x4D30;
	s20 =	simm.s32 $0x26C0  }
0x5: {  	s21 =	simm.s32 $0x4D80;
	s22 =	simm.s32 $0x4DD0;
	s23 =	simm.s32 $0x0  }
0x6: {  	s5 =	sand.u32 $0x1, s0;
	s0 =	stileid.u32;
	[smem:$0x7FF] =	sst s3  }
0x7: {  	s4 =	sadd.s32 $0x15E00, s6;
	s1 =	sshll.u32 s5, $0x4;
	s8 =	smul.u32 $0xA000, s0  }
0x8: {  	s9 =	smul.u32 $0xA0000, s5;
	s29 =	ssub.s32 $0x2, s5;
	s5 =	sadd.s32 $0x29800, s6  }
0x9: {  	s31 =	sshll.u32 s0, $0x6;
	s1 =	sor.u32 s0, s1;
	s30 =	sshrl.u32 s29, $0x1  }
0xa: {  	s7 =	smul.u32 $0x2710, s1;
	s1 =	rddreg [dreg:$0x2];
	s9 =	sadd.s32 s8, s9  }
0xb: {  	_ =	strace $0x8000004D;
	s12 =	ssub.s32 s29, s30;
	s28 =	sshrl.u32 s9, $0x3  }
0xc: {  	s13 =	sadd.s32 s8, s2;
	s7 =	sshrl.u32 s7, $0x3;
	s11 =	sadd.s32 s28, s6  }
0xd: {  	s10 =	sadd.s32 s7, s6;
	s6 =	sor.u32 $0x1C03, s31;
	s9 =	sadd.s32 $0x2AC00, s11  }
0xe: {  	s11 =	sshrl.u32 s13, $0x3;
	s13 =	simm.s32 $0x2710;
	s7 =	sadd.s32 $0x2400, s10  }
0xf: {  	s8 =	sadd.s32 $0xC040, s10;
	s10 =	smax.u32 s12, $0x1;
	s12 =	simm.s32 $0x3  }
.LBB2_1:
0x10: {  	[spmem:s11], [sflag:s6] =	dma.local [hbm:s5], $0x1400  }
0x11: {  	_ =	swait.ge [sflag:s12], $0x1400  }
0x12: {  	[sflag:s12] =	ssyncset.done $0x0  }
0x13: {  	[sflag:s12] =	ssyncadd.s32 $0xFFFFEC00  }
0x14: {  	[tilespmem:s3], [sflag:$0x3] =	stream.linear.gather [hbm4b:s7+s3], $0x2710, $0x38;
	[tilespmem:$0x11620] =	vst v63  }
0x15: {  	_ =	swait.ge [sflag:s12], $0x2710  }
0x16: {  	[sflag:s12] =	ssyncset.done $0x0  }
0x17: {  	[sflag:s12] =	ssyncadd.s32 $0xFFFFD8F0  }
0x18: {  	[tilespmem:s13], [sflag:$0x3] =	stream.linear.gather [hbm4b:s8+s3], $0x2710, $0x38;
	[tilespmem:$0x11620] =	vst v63  }
0x19: {  	_ =	swait.ge [sflag:s12], $0x2710  }
0x1a: {  	[sflag:s12] =	ssyncset.done $0x0  }
0x1b: {  	[sflag:s12] =	ssyncadd.s32 $0xFFFFD8F0  }
0x1c: {  	[bflag:$0x0] =	sbarrier.arrive $0xFFFF  }
0x1d: {  	[tilespmem:s15], [sflag:$0x1] =	stream.indirect.gather [hbm4b:s4+s14], $0x40, s3, s14, $0xb8;
	[tilespmem:$0x11620] =	vst v63  }
0x1e: {  	_ = 	snop  }
0x1f: {  	[tilespmem:s16], [sflag:$0x2] =	stream.indirect.gather [hbm4b:s4+s14], $0x40, s14, s14, $0xb8;
	[tilespmem:$0x11620] =	vst v63  }
0x20: {  	_ =	swait.ge [sflag:s17], $0x1400  }
0x21: {  	[sflag:s17] =	ssyncset.done $0x0  }
0x22: {  	s24 =	simm.s32 $0x2710;
	[sflag:s17] =	ssyncadd.s32 $0xFFFFEC00  }
0x23: {  	[spmem:s2] =	stream.indirect.scatter.add.f32 [tilespmem:s15], [sflag:$0x3], $0x40, s24, s14, $0xb8;
	[tilespmem:$0x11620] =	vst v63  }
0x24: {  	_ =	swait.ge [sflag:s12], $0x1400  }
0x25: {  	[sflag:s12] =	ssyncset.done $0x0  }
0x26: {  	s30 =	simm.s32 $0xA0;
	[sflag:s12] =	ssyncadd.s32 $0xFFFFEC00  }
0x27: {  	[tilespmem:s15], [sflag:$0x1] =	stream.indirect.gather [hbm4b:s4+s14], $0x40, s30, s14, $0xb8;
	[tilespmem:$0x11620] =	vst v63  }
0x28: {  	_ =	swait.ge [sflag:s18], $0x1400  }
0x29: {  	[sflag:s18] =	ssyncset.done $0x0  }
0x2a: {  	s31 =	simm.s32 $0x2760;
	[sflag:s18] =	ssyncadd.s32 $0xFFFFEC00  }
0x2b: {  	[spmem:s2] =	stream.indirect.scatter.add.f32 [tilespmem:s16], [sflag:$0x3], $0x40, s31, s14, $0xb8;
	[tilespmem:$0x11620] =	vst v63  }
0x2c: {  	_ =	swait.ge [sflag:s12], $0x1400  }
0x2d: {  	[sflag:s12] =	ssyncset.done $0x0  }
0x2e: {  	s25 =	simm.s32 $0xF0;
	s24 =	simm.s32 $0x280;
	[sflag:s12] =	ssyncadd.s32 $0xFFFFEC00  }
.LBB2_2:
0x2f: {  	[tilespmem:s16], [sflag:$0x2] =	stream.indirect.gather [hbm4b:s4+s14], $0x40, s25, s14, $0xb8;
	[tilespmem:$0x11620] =	vst v63  }
0x30: {  	s25 =	smov.u32 s24  }
0x31: {  	p0 =	sne.s32 s24, $0x9600;
	s24 =	sadd.s32 $0x280, s24;
	_ =	swait.ge [sflag:s17], $0x1400  }
0x32: {  	s25 =	sshra.s32 s25, $0x2;
	[sflag:s17] =	ssyncset.done $0x0  }
0x33: {  	s26 =	sadd.s32 $0x2710, s25;
	[sflag:s17] =	ssyncadd.s32 $0xFFFFEC00  }
0x34: {  	[spmem:s2] =	stream.indirect.scatter.add.f32 [tilespmem:s15], [sflag:$0x3], $0x40, s26, s14, $0xb8;
	[tilespmem:$0x11620] =	vst v63  }
0x35: {  	_ =	swait.ge [sflag:s12], $0x1400  }
0x36: {  	[sflag:s12] =	ssyncset.done $0x0  }
0x37: {  	s26 =	sadd.s32 $0xA0, s25;
	[sflag:s12] =	ssyncadd.s32 $0xFFFFEC00  }
0x38: {  	[tilespmem:s15], [sflag:$0x1] =	stream.indirect.gather [hbm4b:s4+s14], $0x40, s26, s14, $0xb8;
	[tilespmem:$0x11620] =	vst v63  }
0x39: {  	_ =	swait.ge [sflag:s18], $0x1400  }
0x3a: {  	[sflag:s18] =	ssyncset.done $0x0  }
.Ltmp0:
0x3b: {  	s26 =	sadd.s32 $0x2760, s25;
	[sflag:s18] =	ssyncadd.s32 $0xFFFFEC00;
	(pc) =	sbr.rel @p0 .LBB2_2-.Ltmp0, $4  }
0x3c: {  	[spmem:s2] =	stream.indirect.scatter.add.f32 [tilespmem:s16], [sflag:$0x3], $0x40, s26, s14, $0xb8;
	[tilespmem:$0x11620] =	vst v63  }
0x3d: {  	_ =	swait.ge [sflag:s12], $0x1400  }
0x3e: {  	[sflag:s12] =	ssyncset.done $0x0  }
0x3f: {  	s25 =	sadd.s32 $0xF0, s25;
	[sflag:s12] =	ssyncadd.s32 $0xFFFFEC00  }
0x40: {  	[tilespmem:s16], [sflag:$0x2] =	stream.indirect.gather [hbm4b:s4+s14], $0x40, s25, s14, $0xb8;
	[tilespmem:$0x11620] =	vst v63  }
0x41: {  	_ =	swait.ge [sflag:s17], $0x1400  }
0x42: {  	[sflag:s17] =	ssyncset.done $0x0  }
0x43: {  	[sflag:s17] =	ssyncadd.s32 $0xFFFFEC00  }
0x44: {  	[spmem:s2] =	stream.indirect.scatter.add.f32 [tilespmem:s15], [sflag:$0x3], $0x40, s19, s14, $0xb8;
	[tilespmem:$0x11620] =	vst v63  }
0x45: {  	_ =	swait.ge [sflag:s12], $0x1400  }
0x46: {  	[sflag:s12] =	ssyncset.done $0x0  }
0x47: {  	[sflag:s12] =	ssyncadd.s32 $0xFFFFEC00  }
0x48: {  	[tilespmem:s15], [sflag:$0x1] =	stream.indirect.gather [hbm4b:s4+s14], $0x40, s20, s14, $0xb8;
	[tilespmem:$0x11620] =	vst v63  }
0x49: {  	_ =	swait.ge [sflag:s18], $0x1400  }
0x4a: {  	[sflag:s18] =	ssyncset.done $0x0  }
0x4b: {  	[sflag:s18] =	ssyncadd.s32 $0xFFFFEC00  }
0x4c: {  	[spmem:s2] =	stream.indirect.scatter.add.f32 [tilespmem:s16], [sflag:$0x3], $0x40, s21, s14, $0xb8;
	[tilespmem:$0x11620] =	vst v63  }
0x4d: {  	_ =	swait.ge [sflag:s12], $0x1400  }
0x4e: {  	[sflag:s12] =	ssyncset.done $0x0  }
0x4f: {  	[sflag:s12] =	ssyncadd.s32 $0xFFFFEC00  }
0x50: {  	[tilespmem:s16], [sflag:$0x2] =	stream.indirect.gather [hbm4b:s4+s14], $0x40, s20, s14, $0xb8;
	[tilespmem:$0x11620] =	vst v63  }
0x51: {  	_ =	swait.ge [sflag:s17], $0x1400  }
0x52: {  	[sflag:s17] =	ssyncset.done $0x0  }
0x53: {  	[sflag:s17] =	ssyncadd.s32 $0xFFFFEC00  }
0x54: {  	[spmem:s2] =	stream.indirect.scatter.add.f32 [tilespmem:s15], [sflag:$0x3], $0x40, s22, s14, $0xb8;
	[tilespmem:$0x11620] =	vst v63  }
0x55: {  	_ =	swait.ge [sflag:s12], $0x1400  }
0x56: {  	[sflag:s12] =	ssyncset.done $0x0  }
0x57: {  	[sflag:s12] =	ssyncadd.s32 $0xFFFFEC00  }
0x58: {  	_ =	swait.ge [sflag:s18], $0x1400  }
0x59: {  	s23 =	sadd.s32 $0x1, s23;
	[sflag:s18] =	ssyncset.done $0x0  }
0x5a: {  	p0 =	sne.s32 s23, s10;
	[sflag:s18] =	ssyncadd.s32 $0xFFFFEC00  }
.Ltmp1:
0x5b: {  	[bflag:$0x0] =	sbarrier.arrive $0xFFFF;
	(pc) =	sbr.rel @p0 .LBB2_1-.Ltmp1, $4  }
0x5c: {  	[hbm:s9], [sflag:s6] =	dma.local [spmem:s11], $0x1400  }
0x5d: {  	_ =	swait.ge [sflag:s12], $0x1400  }
0x5e: {  	[sflag:s12] =	ssyncset.done $0x0  }
0x5f: {  	[sflag:s12] =	ssyncadd.s32 $0xFFFFEC00  }
0x60: {  	_ =	sfence.sel $0x180000  }
0x61: {  	[bflag:$0x0] =	sbarrier.arrive $0xFFFF  }
0x62: {  	p0 =	sne.s32 s0, $0x0;
	_ =	strace $0x9000004D  }
0x63: {  	s0 =	sadd.s32 @!p0 $0x100000, s1;
	[bflag:$0x2] =	sbarrier.arrive $0xFFFF  }
0x64: {  	[sflag:s0] =	ssyncadd.tile.s32 @!p0 $0x1;
	_ =	shalt  }
.Lfunc_end2:
_tile_overlayer_lowered:
.L_overlay_start_2:
0x65: {  	(tag) =	ssettag $0x2  }
0x66: {  	s0 =	rddreg [dreg:$0x0];
	s2 =	stileid.u32  }
0x67: {  	s1 =	rddreg [dreg:$0x1];
	p0 =	sne.s32 s2, $0x0  }
0x68: {  	s3 =	rddreg [dreg:$0x2];
	[bflag:$0x3] =	sbarrier.arrive $0xFFFF;
	s2 =	simm.s32 @!p0 $0x1C03  }
0x69: {  	[timem:s3], [sflag:s2] =	dma.local @!p0 [hbm:s0], s1  }
0x6a: {  	s0 =	simm.s32 @!p0 $0x3  }
0x6b: {  	_ =	swait.ge @!p0 [sflag:s0], s1  }
0x6c: {  	s1 =	ssub.s32 @!p0 $0x0, s1;
	[sflag:s0] =	ssyncset.done @!p0 $0x0  }
0x6d: {  	[sflag:s0] =	ssyncadd.s32 @!p0 s1  }
0x6e: {  	[bflag:$0x3] =	sbarrier.arrive $0xFFFF  }
0x6f: {  	_ =	shalt  }

// kernel: kernel.8.cloned.1.call-start
scs
__scs_entry_jumppad:
0x0: {  	(pc) =	sbr.rel $0x88, $3  }
0x1: {  	(tag) =	ssettag $0x0;
	lr =	simm.s32 $0x1  }
0x2: {  	[smem:$0x3F94] =	sst lr;
	_ =	strace $0xD0000000  }
0x3: {  	_ = 	snop  }
0x4: {  	_ = 	snop  }
0x5: {  	_ = 	snop  }
0x6: {  	_ = 	snop  }
0x7: {  	_ = 	snop  }
__scs_overlays_trampoline_lowered:
0x8: {  	[smem:$0x3FA3] =	sst s0  }
0x9: {  	[smem:$0x3FA4] =	sst s1  }
0xa: {  	[smem:$0x3FA5] =	sst s2  }
0xb: {  	[smem:$0x3FA6] =	sst s3  }
0xc: {  	[smem:$0x3FA7] =	sst s4  }
0xd: {  	[smem:$0x3FA8] =	sst s5  }
0xe: {  	[smem:$0x3FA9] =	sst s6  }
0xf: {  	[smem:$0x3FAA] =	sst s7  }
0x10: {  	[smem:$0x3FAB] =	sst s8  }
0x11: {  	[smem:$0x3FAC] =	sst s9;
	s0 =	simm.s32 @!p0 $0x0  }
0x12: {  	s1 =	sld [smem:$0x3F92];
	s0 =	simm.s32 @p0 $0x1  }
0x13: {  	[smem:$0x3FAD] =	sst s0;
	s0 =	simm.s32 @!p1 $0x0  }
0x14: {  	s2 =	sld [smem:$0x3F91];
	s0 =	simm.s32 @p1 $0x1  }
0x15: {  	[smem:$0x3FAE] =	sst s0;
	s0 =	simm.s32 @!p2 $0x0  }
0x16: {  	s3 =	sld [smem:$0x3FDB];
	s0 =	simm.s32 @p2 $0x1  }
0x17: {  	s4 =	simm.s32 $0x1BF5;
	[smem:$0x3FB0] =	sst s0  }
0x18: {  	s0 =	sld [smem:$0x3F93];
	_ =	swait.ge [sflag:s4], $0x0  }
0x19: {  	s7 =	sld [smem:$0x3F94]  }
0x1a: {  	s8 =	sadd.s32 $0xFFFFE003, lr  }
0x1b: {  	s9 =	sadd.s32 $0xFFFFFEF7, lr;
	s5 =	simm.s32 $0xFFFFFFFF;
	p2 =	slt.u32 s8, $0xFFFFF086  }
0x1c: {  	p1 =	slt.u32 s9, $0xF7A;
	s5 =	simm.s32 @!p2 $0x0  }
0x1d: {  	s5 =	simm.s32 @p1 $0x1;
	p0 =	seq.s32 s7, s2  }
0x1e: {  	s7 =	smul.u32 @!p0 $0xF7A, s2;
	p2 =	seq.s32 @!p0 s5, $0x0  }
0x1f: {  	s9 =	smul.u32 $0xF7A, s1;
	s8 =	simm.s32 @!p0 $0x1BF5;
	p2 =	por !p2, p0  }
0x20: {  	[sflag:s8] =	ssyncset.s32 @!p0 $0xFFFFF086;
	s6 =	sadd.s32 @!p0 s3, s7;
	s7 =	simm.s32 @!p0 $0x108  }
0x21: {  	s3 =	sadd.s32 s3, s9;
	s6 =	sadd.s32 @!p0 $0x88, s6;
	s7 =	simm.s32 @p2 $0x1082  }
0x22: {  	[simem:s7], [sflag:s8] =	dma.local @!p0 [hbm:s6], $0xF7A  }
0x23: {  	s9 =	sor.u32 $0xD0000000, s2;
	s6 =	simm.s32 $0x108;
	_ =	swait.ge @!p0 [sflag:s8], $0x0  }
0x24: {  	s3 =	sadd.s32 $0x88, s3;
	s6 =	simm.s32 @!p1 $0x1082;
	[sflag:s4] =	ssyncset.s32 $0xFFFFF086  }
0x25: {  	[simem:s6], [sflag:s4] =	dma.local [hbm:s3], $0xF7A  }
0x26: {  	[smem:$0x3F94] =	sst s1;
	(tag) =	ssettag s2;
	_ =	strace s9  }
0x27: {  	s1 =	sld [smem:$0x3FA4]  }
0x28: {  	s2 =	sld [smem:$0x3FA5]  }
0x29: {  	s4 =	sld [smem:$0x3FA7]  }
0x2a: {  	p0 =	seq.s32 s5, $0x0;
	s5 =	sld [smem:$0x3FA8]  }
0x2b: {  	s6 =	sld [smem:$0x3FA9]  }
0x2c: {  	s7 =	sld [smem:$0x3FAA]  }
0x2d: {  	s3 =	simm.s32 $0x108;
	s8 =	sld [smem:$0x3FAB]  }
0x2e: {  	s3 =	simm.s32 @!p0 $0x1082;
	s9 =	sld [smem:$0x3FAC]  }
0x2f: {  	lr =	sadd.s32 s0, s3;
	s0 =	sld [smem:$0x3FA3]  }
0x30: {  	s3 =	sld [smem:$0x3FA6]  }
0x31: {  	[smem:$0x3FAF] =	sst s10  }
0x32: {  	s10 =	sld [smem:$0x3FAD];
	_ =	sdelay $0x3  }
0x33: {  	p0 =	seq.s32 s10, $0x1;
	s10 =	sld [smem:$0x3FAF];
	_ =	sdelay $0x3  }
0x34: {  	[smem:$0x3FAF] =	sst s10  }
0x35: {  	s10 =	sld [smem:$0x3FAE];
	_ =	sdelay $0x3  }
0x36: {  	p1 =	seq.s32 s10, $0x1;
	s10 =	sld [smem:$0x3FAF];
	_ =	sdelay $0x3  }
0x37: {  	[smem:$0x3FAF] =	sst s10  }
0x38: {  	s10 =	sld [smem:$0x3FB0]  }
0x39: {  	_ = 	snop;
	(pc) =	sbr.ind lr, $3  }
0x3a: {  	_ = 	snop  }
0x3b: {  	_ = 	snop  }
0x3c: {  	p2 =	seq.s32 s10, $0x1;
	s10 =	sld [smem:$0x3FAF]  }
0x3d: {  	_ =	shalt  }
0x3e: {  	_ =	shalt  }
0x3f: {  	_ =	shalt  }
0x40: {  	_ =	shalt  }
0x41: {  	_ =	shalt  }
0x42: {  	_ =	shalt  }
0x43: {  	_ =	shalt  }
0x44: {  	_ =	shalt  }
0x45: {  	_ =	shalt  }
0x46: {  	_ =	shalt  }
0x47: {  	_ =	shalt  }
0x48: {  	_ =	shalt  }
0x49: {  	_ =	shalt  }
0x4a: {  	_ =	shalt  }
0x4b: {  	_ =	shalt  }
0x4c: {  	_ =	shalt  }
0x4d: {  	_ =	shalt  }
0x4e: {  	_ =	shalt  }
0x4f: {  	_ =	shalt  }
0x50: {  	_ =	shalt  }
0x51: {  	_ =	shalt  }
0x52: {  	_ =	shalt  }
0x53: {  	_ =	shalt  }
0x54: {  	_ =	shalt  }
0x55: {  	_ =	shalt  }
0x56: {  	_ =	shalt  }
0x57: {  	_ =	shalt  }
0x58: {  	_ =	shalt  }
0x59: {  	_ =	shalt  }
0x5a: {  	_ =	shalt  }
0x5b: {  	_ =	shalt  }
0x5c: {  	_ =	shalt  }
0x5d: {  	_ =	shalt  }
0x5e: {  	_ =	shalt  }
0x5f: {  	_ =	shalt  }
0x60: {  	_ =	shalt  }
0x61: {  	_ =	shalt  }
0x62: {  	_ =	shalt  }
0x63: {  	_ =	shalt  }
0x64: {  	_ =	shalt  }
0x65: {  	_ =	shalt  }
0x66: {  	_ =	shalt  }
0x67: {  	_ =	shalt  }
0x68: {  	_ =	shalt  }
0x69: {  	_ =	shalt  }
0x6a: {  	_ =	shalt  }
0x6b: {  	_ =	shalt  }
0x6c: {  	_ =	shalt  }
0x6d: {  	_ =	shalt  }
0x6e: {  	_ =	shalt  }
0x6f: {  	_ =	shalt  }
0x70: {  	_ =	shalt  }
0x71: {  	_ =	shalt  }
0x72: {  	_ =	shalt  }
0x73: {  	_ =	shalt  }
0x74: {  	_ =	shalt  }
0x75: {  	_ =	shalt  }
0x76: {  	_ =	shalt  }
0x77: {  	_ =	shalt  }
0x78: {  	_ =	shalt  }
0x79: {  	_ =	shalt  }
0x7a: {  	_ =	shalt  }
0x7b: {  	_ =	shalt  }
0x7c: {  	_ =	shalt  }
0x7d: {  	_ =	shalt  }
0x7e: {  	_ =	shalt  }
0x7f: {  	_ =	shalt  }
0x80: {  	_ =	shalt  }
0x81: {  	_ =	shalt  }
0x82: {  	_ =	shalt  }
0x83: {  	_ =	shalt  }
0x84: {  	_ =	shalt  }
0x85: {  	_ =	shalt  }
0x86: {  	_ =	shalt  }
0x87: {  	_ =	shalt  }
.Lfunc_end0:
.L_simem_size_0:
called_computation_lowered:
.L_overlay_start_0:
0x88: {  	s2 =	sld [smem:$0x3FD9]  }
0x89: {  	s3 =	sld [smem:$0x3FFE];
	_ =	sdelay $0x1  }
0x8a: {  	s1 =	srdreg.scid  }
0x8b: {  	s0 =	sand.u32 $0x1, s1  }
0x8c: {  	s17 =	sshll.u32 s0, $0xA;
	s2 =	sadd.s32 s3, s2  }
0x8d: {  	s2 =	sadd.s32 s2, s17  }
0x8e: {  	[smem:$0x3FBB] =	sst s2  }
0x8f: {  	_ = 	snop  }
0x90: {  	s2 =	sld [smem:$0x3FD0];
	(tm) =	ssettm $0x1  }
0x91: {  	s18 =	sld [smem:$0x3FFB];
	_ =	sdelay $0x3  }
0x92: {  	_ =	strace s18  }
0x93: {  	s3 =	sld [smem:$0x3FFC];
	_ =	sdelay $0x3  }
0x94: {  	_ =	strace s3  }
0x95: {  	s3 =	sld [smem:$0x3FFD];
	_ =	sdelay $0x3  }
0x96: {  	_ =	strace s3  }
0x97: {  	_ =	strace $0x8FFFFFFF  }
0x98: {  	s19 =	sld [smem:$0x3FDB];
	_ =	sdelay $0x1  }
0x99: {  	s4 =	simm.s32 $_scs_section_size  }
0x9a: {  	s5 =	simm.s32 $_size__tile_overlayer_lowered;
	s6 =	simm.s32 $_tile_overlayer_lowered  }
0x9b: {  	s22 =	simm.s32 $0x1BFF;
	s21 =	sshll.u32 s6, $0x1;
	s3 =	sadd.s32 s4, s19  }
0x9c: {  	s7 =	simm.s32 $0x0;
	s20 =	sshll.u32 s5, $0x1;
	s5 =	sadd.s32 s21, s3  }
0x9d: {  	[timem:s7], [sflag:s22] =	dma.local [hbm:s5], s20  }
0x9e: {  	_ =	swait.ge [sflag:s22], s20  }
0x9f: {  	s4 =	ssub.s32 $0x0, s20;
	[sflag:s22] =	ssyncset.done $0x0  }
0xa0: {  	[sflag:s22] =	ssyncadd.s32 s4;
	_ =	sdelay $0x1  }
0xa1: {  	s23 =	simm.s32 $0x1B8B  }
0xa2: {  	_ =	swait.ge [sflag:s23], $0x1  }
0xa3: {  	[sflag:s23] =	ssyncset.done $0x0  }
0xa4: {  	s25 =	simm.s32 $0x1B8E;
	s24 =	sld [smem:$0x3FFE];
	[sflag:s23] =	ssyncadd.s32 $0xFFFFFFFF  }
0xa5: {  	s26 =	simm.s32 $execute0_lowered;
	[smem:$0x3FD2] =	sst s25  }
0xa6: {  	s5 =	sshll.u32 s26, $0x1;
	_ =	strace $0x80000046;
	[dreg:$0x1] =	wrdreg $0xFFFFFFFF  }
0xa7: {  	s28 =	simm.s32 $_size_execute0_lowered;
	s3 =	sadd.s32 s3, s5;
	[dreg:$0x0] =	wrdreg $0x0  }
0xa8: {  	s5 =	sshll.u32 s28, $0x1;
	[dreg:$0x2] =	wrdreg s3  }
0xa9: {  	[dreg:$0x3] =	wrdreg s5  }
0xaa: {  	[dreg:$0x4] =	wrdreg $0xC0  }
0xab: {  	_ =	task [dreg:s7], $0x5FFFF  }
0xac: {  	[dreg:$0x1] =	wrdreg $0xFFFFFFFF  }
0xad: {  	[dreg:$0x0] =	wrdreg $0x60  }
0xae: {  	[dreg:$0x2] =	wrdreg s24  }
0xaf: {  	[dreg:$0x3] =	wrdreg s2  }
0xb0: {  	[dreg:$0x4] =	wrdreg $0x27600  }
0xb1: {  	[dreg:$0x5] =	wrdreg $0x9  }
0xb2: {  	_ =	task.clear_ibuf [dreg:s7], $0x6FFFF;
	_ =	strace $0x90000046  }
0xb3: {  	s29 =	simm.s32 $0x9;
	_ =	strace $0x80000048  }
0xb4: {  	_ =	swait.ge [sflag:s29], $0x1  }
0xb5: {  	[sflag:s29] =	ssyncadd.s32 $0xFFFFFFFF  }
0xb6: {  	_ =	strace $0x90000048  }
0xb7: {  	_ =	sfence  }
0xb8: {  	s30 =	sld [smem:$0x0];
	_ =	sdelay $0x2  }
0xb9: {  	s31 =	sshll.u32 s1, $0xD;
	s1 =	sshrl.u32 s1, $0x2  }
0xba: {  	s3 =	sand.u32 $0x4000, s31;
	s1 =	sadd.s32 s1, s30  }
0xbb: {  	s0 =	sor.u32 s3, s0;
	s1 =	sshll.u32 s1, $0x11  }
0xbc: {  	s0 =	sor.u32 s1, s0  }
0xbd: {  	s0 =	sadd.s32 $0x8F2B, s0  }
0xbe: {  	[sflag:s0] =	ssyncadd.remote.s32 $0x1  }
0xbf: {  	_ =	sfence.sel $0xFFFF  }
0xc0: {  	[dreg:$0x0] =	wrdreg $0xFFFFFFFF;
	(pc) =	sbr.abs _section_cstart, $3  }
0xc1: {  	[dreg:$0x1] =	wrdreg $0xFFFFFFFF  }
0xc2: {  	_ =	task.clear_ibuf [dreg:s7], $0x2FFFF;
	_ =	strace $0x9FFFFFFF  }
0xc3: {  	(tm) =	ssettm $0x7FFFFFFF  }
tec
execute0_lowered:
.L_overlay_start_1:
0x0: {  	(tag) =	ssettag $0x1  }
0x1: {  	s6 =	rddreg [dreg:$0x0]  }
0x2: {  	s2 =	rddreg [dreg:$0x1]  }
0x3: {  	s3 =	rddreg [dreg:$0x2]  }
0x4: {  	s0 =	rddreg [dreg:$0x3];
	s5 =	srdreg.scid  }
0x5: {  	s1 =	stileid.u32;
	s4 =	simm.s32 $0x0;
	s12 =	simm.s32 $0x2710  }
0x6: {  	s13 =	simm.s32 $0x50;
	s14 =	simm.s32 $0x0;
	s5 =	sand.u32 $0x1, s5  }
0x7: {  	s7 =	smul.u32 $0x280, s1;
	[smem:$0x7FF] =	sst s4;
	s31 =	sshll.u32 s1, $0x6  }
0x8: {  	s8 =	smul.u32 $0x2800, s5;
	s9 =	sshll.u32 s5, $0x4;
	_ =	strace $0x80000047  }
0x9: {  	s10 =	ssub.s32 $0x2, s5;
	s5 =	sadd.s32 $0x15E00, s6;
	s9 =	sor.u32 s1, s9  }
0xa: {  	s11 =	sshrl.u32 s10, $0x1;
	s8 =	sadd.s32 s7, s8;
	s9 =	smul.u32 $0x2710, s9  }
0xb: {  	s30 =	sadd.s32 s7, s3;
	s10 =	ssub.s32 s10, s11;
	s8 =	sshrl.u32 s8, $0x3  }
0xc: {  	s11 =	simm.s32 $0x1;
	s8 =	sadd.s32 s8, s6;
	s9 =	sshrl.u32 s9, $0x3  }
0xd: {  	s9 =	sadd.s32 s6, s9;
	s6 =	sor.u32 $0x1C01, s31;
	s8 =	sadd.s32 $0x16000, s8  }
0xe: {  	s7 =	sadd.s32 $0xC040, s9;
	s9 =	smax.u32 s10, $0x1;
	s10 =	sshrl.u32 s30, $0x3  }
.LBB2_1:
0xf: {  	[spmem:s10], [sflag:s6] =	dma.local [hbm:s5], $0x50  }
0x10: {  	_ =	swait.ge [sflag:s11], $0x50  }
0x11: {  	[sflag:s11] =	ssyncset.done $0x0  }
0x12: {  	[sflag:s11] =	ssyncadd.s32 $0xFFFFFFB0  }
0x13: {  	[tilespmem:s12], [sflag:$0x1] =	stream.linear.gather [hbm4b:s2+s4], $0x50, $0x38;
	[tilespmem:$0x29E0] =	vst v63  }
0x14: {  	_ =	swait.ge [sflag:s11], $0x50  }
0x15: {  	[sflag:s11] =	ssyncset.done $0x0  }
0x16: {  	[sflag:s11] =	ssyncadd.s32 $0xFFFFFFB0  }
0x17: {  	[tilespmem:s4], [sflag:$0x1] =	stream.linear.gather [hbm4b:s7+s4], $0x2710, $0x38;
	[tilespmem:$0x29E0] =	vst v63  }
0x18: {  	_ =	swait.ge [sflag:s11], $0x2710  }
0x19: {  	[sflag:s11] =	ssyncset.done $0x0  }
0x1a: {  	[sflag:s11] =	ssyncadd.s32 $0xFFFFD8F0  }
0x1b: {  	s15 =	simm.s32 $0x0;
	[bflag:$0x0] =	sbarrier.arrive $0xFFFF  }
0x1c: {  	[spmem:s3] =	stream.indirect.scatter.add.f32 [tilespmem:s12], [sflag:$0x1], $0x1, s15, s13, $0xb8;
	[tilespmem:$0x29E0] =	vst v63  }
0x1d: {  	_ =	swait.ge [sflag:s11], $0x50  }
0x1e: {  	s15 =	simm.s32 $0x140;
	[sflag:s11] =	ssyncset.done $0x0  }
.LBB2_2:
0x1f: {  	s16 =	sshra.s32 s15, $0x2;
	[sflag:s11] =	ssyncadd.s32 $0xFFFFFFB0;
	p0 =	sne.s32 s15, $0x9B00  }
0x20: {  	[spmem:s3] =	stream.indirect.scatter.add.f32 [tilespmem:s12], [sflag:$0x1], $0x1, s16, s13, $0xb8;
	[tilespmem:$0x29E0] =	vst v63  }
.Ltmp0:
0x21: {  	_ = 	snop;
	(pc) =	sbr.rel @p0 .LBB2_2-.Ltmp0, $4  }
0x22: {  	_ = 	snop  }
0x23: {  	s15 =	sadd.s32 $0x140, s15  }
0x24: {  	_ =	swait.ge [sflag:s11], $0x50  }
0x25: {  	[sflag:s11] =	ssyncset.done $0x0  }
0x26: {  	s14 =	sadd.s32 $0x1, s14  }
0x27: {  	[sflag:s11] =	ssyncadd.s32 $0xFFFFFFB0;
	p0 =	sne.s32 s14, s9  }
.Ltmp1:
0x28: {  	[bflag:$0x0] =	sbarrier.arrive $0xFFFF;
	(pc) =	sbr.rel @p0 .LBB2_1-.Ltmp1, $4  }
0x29: {  	[hbm:s8], [sflag:s6] =	dma.local [spmem:s10], $0x50  }
0x2a: {  	_ =	swait.ge [sflag:s11], $0x50  }
0x2b: {  	[sflag:s11] =	ssyncset.done $0x0  }
0x2c: {  	[sflag:s11] =	ssyncadd.s32 $0xFFFFFFB0  }
0x2d: {  	_ =	sfence.sel $0x180000  }
0x2e: {  	[bflag:$0x0] =	sbarrier.arrive $0xFFFF  }
0x2f: {  	p0 =	sne.s32 s1, $0x0;
	_ =	strace $0x90000047  }
0x30: {  	s0 =	sadd.s32 @!p0 $0x100000, s0;
	[bflag:$0x2] =	sbarrier.arrive $0xFFFF  }
0x31: {  	[sflag:s0] =	ssyncadd.tile.s32 @!p0 $0x1;
	_ =	shalt  }
.Lfunc_end2:
_tile_overlayer_lowered:
.L_overlay_start_2:
0x32: {  	(tag) =	ssettag $0x2  }
0x33: {  	s0 =	rddreg [dreg:$0x0];
	s2 =	stileid.u32  }
0x34: {  	s1 =	rddreg [dreg:$0x1];
	p0 =	sne.s32 s2, $0x0  }
0x35: {  	s3 =	rddreg [dreg:$0x2];
	[bflag:$0x3] =	sbarrier.arrive $0xFFFF;
	s2 =	simm.s32 @!p0 $0x1C01  }
0x36: {  	[timem:s3], [sflag:s2] =	dma.local @!p0 [hbm:s0], s1  }
0x37: {  	s0 =	simm.s32 @!p0 $0x1  }
0x38: {  	_ =	swait.ge @!p0 [sflag:s0], s1  }
0x39: {  	s1 =	ssub.s32 @!p0 $0x0, s1;
	[sflag:s0] =	ssyncset.done @!p0 $0x0  }
0x3a: {  	[sflag:s0] =	ssyncadd.s32 @!p0 s1  }
0x3b: {  	[bflag:$0x3] =	sbarrier.arrive $0xFFFF  }
0x3c: {  	_ =	shalt  }

</sc_bundles>
